<compile_context>
chip_gen: v7x
topology: tpu7x:2x2x1
jax: 0.10.2.dev20260603
libtpu: 0.0.44.dev20260713+nightly
codegen_flags: <defaults>
</compile_context>

<pallas_src>
import functools

import jax
import jax.numpy as jnp
from jax import lax
from jax.experimental import pallas as pl
from jax.experimental.pallas import tpu as pltpu
from jax.experimental.pallas import tpu_sc as plsc

_N = 32768
_DIM = 768
_NC = 2
_NS = 16
_NW = _NC * _NS
_RPW = _N // _NW
_REP = 64
_CHW = _REP * _DIM
_NDMA = _RPW // _REP
_VJ = _DIM // 16

_mesh = plsc.VectorSubcoreMesh(core_axis_name="c", subcore_axis_name="s")


@functools.partial(
    pl.kernel,
    out_type=(
        jax.ShapeDtypeStruct((_N * _DIM,), jnp.float32),
        jax.ShapeDtypeStruct((_N,), jnp.float32),
        jax.ShapeDtypeStruct((_N,), jnp.int32),
    ),
    mesh=_mesh,
    scratch_types=[
        pltpu.VMEM((_DIM,), jnp.float32),
        pltpu.VMEM((_CHW,), jnp.float32),
        pltpu.VMEM((_RPW,), jnp.float32),
        pltpu.VMEM((_RPW,), jnp.int32),
        pltpu.SemaphoreType.DMA,
    ],
)
def _sc_fill(x0_hbm, sel_hbm, sc_hbm, idx_hbm, vrow, vbuf, vsc, vidx, sem):
    wid = lax.axis_index("s") * _NC + lax.axis_index("c")
    pltpu.sync_copy(x0_hbm, vrow)

    ones16 = jnp.ones((16,), jnp.float32)
    zeros16 = jnp.zeros((16,), jnp.int32)

    def fill_row(r, carry):
        for j in range(_VJ):
            vbuf[pl.ds(r * _DIM + j * 16, 16)] = vrow[pl.ds(j * 16, 16)]
        return carry

    lax.fori_loop(0, _REP, fill_row, 0)

    def fill_const(r, carry):
        vsc[pl.ds(r * 16, 16)] = ones16
        vidx[pl.ds(r * 16, 16)] = zeros16
        return carry

    lax.fori_loop(0, _RPW // 16, fill_const, 0)

    base = wid * (_RPW * _DIM)
    cps = []
    for d in range(_NDMA):
        c = pltpu.make_async_copy(
            vbuf, sel_hbm.at[pl.ds(base + d * _CHW, _CHW)], sem)
        c.start()
        cps.append(c)
    pltpu.sync_copy(vsc, sc_hbm.at[pl.ds(wid * _RPW, _RPW)])
    pltpu.sync_copy(vidx, idx_hbm.at[pl.ds(wid * _RPW, _RPW)])
    for c in cps:
        c.wait()


def kernel(x, W1, b1, W2, b2):
    x0 = x[0].reshape(_DIM)
    sel, sc, idx = _sc_fill(x0)
    return sel.reshape(_N, 1, _DIM), sc.reshape(_N, 1), idx.reshape(_N, 1)

# --- scband reference (transcript-rebuilt; emitter-appended) ---
"""Pipeline reference for scband-top-kselector-9680856285433 (READ-ONLY COPY).

The authoritative reference and input builder live on the scoring server;
editing this copy changes nothing except your own understanding.
"""

import jax, jax.numpy as jnp
import numpy as np

K = 1
DIM = 768
HID = DIM // 4
N = 32768

def setup_inputs(seed: int = 0) -> dict:
    key = jax.random.key(seed)
    k1, k2, k3 = jax.random.split(key, 3)
    x = jax.random.normal(k1, (N, DIM), dtype=jnp.float32)
    W1 = (jax.random.normal(k2, (DIM, HID), dtype=jnp.float32) * (1.0 / np.sqrt(DIM))).astype(jnp.float32)
    b1 = jnp.zeros((HID,), dtype=jnp.float32)
    W2 = (jax.random.normal(k3, (HID, 1), dtype=jnp.float32) * (1.0 / np.sqrt(HID))).astype(jnp.float32)
    b2 = jnp.zeros((1,), dtype=jnp.float32)
    return {"x": x, "W1": W1, "b1": b1, "W2": W2, "b2": b2}

def reference(x, W1, b1, W2, b2):
    # scorer: Linear(dim, dim//4) -> ReLU -> Linear(dim//4, 1)
    h = jnp.maximum(x @ W1 + b1, 0.0)
    scores = h @ W2 + b2                      # [N, 1]
    scores = jax.nn.softmax(scores, axis=1)   # softmax over size-1 axis (all ones), faithful to torch
    top_scores, top_idx = jax.lax.top_k(scores, K)  # topk over last axis (size 1) -> k must be 1
    x_sel = x[top_idx]                        # advanced indexing along axis 0 -> [N, K, DIM]
    return (x_sel, top_scores, top_idx)

if __name__ == "__main__":
    import jax
    _d = setup_inputs()
    print(jax.jit(kernel)(*tuple(_d.values())))

</pallas_src>

<mosaic_0001>
#map = affine_map<(d0, d1) -> (0)>
module attributes {stable_mosaic.version = 14 : i64} {
  func.func @_sc_fill(%arg0: i32, %arg1: i32, %arg2: memref<768xf32, #tpu.memory_space<hbm>>, %arg3: memref<25165824xf32, #tpu.memory_space<hbm>>, %arg4: memref<32768xf32, #tpu.memory_space<hbm>>, %arg5: memref<32768xi32, #tpu.memory_space<hbm>>, %arg6: memref<768xf32, #tpu.memory_space<vmem>>, %arg7: memref<49152xf32, #tpu.memory_space<vmem>>, %arg8: memref<1024xf32, #tpu.memory_space<vmem>>, %arg9: memref<1024xi32, #tpu.memory_space<vmem>>, %arg10: memref<!tpu.dma_semaphore, #tpu.memory_space<semaphore_mem>>) attributes {dimension_semantics = [#tpu.dimension_semantics<core_parallel>, #tpu.dimension_semantics<subcore_parallel>], iteration_bounds = array<i64: 2, 16>, scalar_prefetch = 0 : i64, scratch_operands = 5 : i64, tpu.core_type = #tpu.core_type<sc_vector_subcore>, window_params = [{transform_indices = #map}, {transform_indices = #map}, {transform_indices = #map}, {transform_indices = #map}]} {
    %mul3A = arith.constant 2 : i32
    %mul3A_0 = arith.muli %arg1, %mul3A : i32
    %add3A = arith.addi %mul3A_0, %arg0 : i32
    "tpu.region"() ({
      %run_scoped3A = tpu.sem_alloc : memref<!tpu.dma_semaphore, #tpu.memory_space<semaphore_mem>>
      tpu.enqueue_dma source(%arg2 : memref<768xf32, #tpu.memory_space<hbm>>) target(%arg6 : memref<768xf32, #tpu.memory_space<vmem>>) target_semaphore(%run_scoped3A : memref<!tpu.dma_semaphore, #tpu.memory_space<semaphore_mem>>)
      tpu.wait_dma2 semaphore(%run_scoped3A : memref<!tpu.dma_semaphore, #tpu.memory_space<semaphore_mem>>) src(%arg2 : memref<768xf32, #tpu.memory_space<hbm>>) dst(%arg6 : memref<768xf32, #tpu.memory_space<vmem>>)
      tpu.yield
    }) : () -> ()
    %broadcast_in_dim3A = arith.constant 1.000000e+00 : f32
    %broadcast_in_dim3A_1 = vector.broadcast %broadcast_in_dim3A : f32 to vector<16xf32>
    %broadcast_in_dim3A_2 = arith.constant 0 : i32
    %broadcast_in_dim3A_3 = vector.broadcast %broadcast_in_dim3A_2 : i32 to vector<16xi32>
    %scan3A = arith.constant 0 : i32
    %scan3A_4 = arith.constant 0 : i32
    %scan3A_5 = arith.constant 64 : i32
    %scan3A_6 = arith.addi %scan3A_4, %scan3A_5 : i32
    %scan3A_7 = arith.constant 1 : i32
    scf.for %scan3A_115 = %scan3A_4 to %scan3A_6 step %scan3A_7  : i32 {
      %get3A = arith.constant 0 : index
      %get3A_116 = tpu.vector_load %arg6[%get3A] {strides = array<i32>} : memref<768xf32, #tpu.memory_space<vmem>>, vector<16xf32>,
      %get3A_117 = vector.shape_cast %get3A_116 : vector<16xf32> to vector<16xf32>
      %mul3A_118 = arith.constant 768 : i32
      %mul3A_119 = arith.muli %scan3A_115, %mul3A_118 : i32
      %add3A_120 = arith.constant 0 : i32
      %add3A_121 = arith.addi %mul3A_119, %add3A_120 : i32
      %swap3A = arith.index_cast %add3A_121 : i32 to index
      %swap3A_122 = tpu.vector_load %arg7[%swap3A] {strides = array<i32>} : memref<49152xf32, #tpu.memory_space<vmem>>, vector<16xf32>,
      %swap3A_123 = vector.shape_cast %swap3A_122 : vector<16xf32> to vector<16xf32>
      %swap3A_124 = vector.shape_cast %get3A_117 : vector<16xf32> to vector<16xf32>
      tpu.vector_store %arg7[%swap3A], %swap3A_124 {strides = array<i32>} : memref<49152xf32, #tpu.memory_space<vmem>>, vector<16xf32>,
      %get3A_125 = arith.constant 16 : index
      %get3A_126 = tpu.vector_load %arg6[%get3A_125] {strides = array<i32>} : memref<768xf32, #tpu.memory_space<vmem>>, vector<16xf32>,
      %get3A_127 = vector.shape_cast %get3A_126 : vector<16xf32> to vector<16xf32>
      %mul3A_128 = arith.constant 768 : i32
      %mul3A_129 = arith.muli %scan3A_115, %mul3A_128 : i32
      %add3A_130 = arith.constant 16 : i32
      %add3A_131 = arith.addi %mul3A_129, %add3A_130 : i32
      %swap3A_132 = arith.index_cast %add3A_131 : i32 to index
      %swap3A_133 = tpu.vector_load %arg7[%swap3A_132] {strides = array<i32>} : memref<49152xf32, #tpu.memory_space<vmem>>, vector<16xf32>,
      %swap3A_134 = vector.shape_cast %swap3A_133 : vector<16xf32> to vector<16xf32>
      %swap3A_135 = vector.shape_cast %get3A_127 : vector<16xf32> to vector<16xf32>
      tpu.vector_store %arg7[%swap3A_132], %swap3A_135 {strides = array<i32>} : memref<49152xf32, #tpu.memory_space<vmem>>, vector<16xf32>,
      %get3A_136 = arith.constant 32 : index
      %get3A_137 = tpu.vector_load %arg6[%get3A_136] {strides = array<i32>} : memref<768xf32, #tpu.memory_space<vmem>>, vector<16xf32>,
      %get3A_138 = vector.shape_cast %get3A_137 : vector<16xf32> to vector<16xf32>
      %mul3A_139 = arith.constant 768 : i32
      %mul3A_140 = arith.muli %scan3A_115, %mul3A_139 : i32
      %add3A_141 = arith.constant 32 : i32
      %add3A_142 = arith.addi %mul3A_140, %add3A_141 : i32
      %swap3A_143 = arith.index_cast %add3A_142 : i32 to index
      %swap3A_144 = tpu.vector_load %arg7[%swap3A_143] {strides = array<i32>} : memref<49152xf32, #tpu.memory_space<vmem>>, vector<16xf32>,
      %swap3A_145 = vector.shape_cast %swap3A_144 : vector<16xf32> to vector<16xf32>
      %swap3A_146 = vector.shape_cast %get3A_138 : vector<16xf32> to vector<16xf32>
      tpu.vector_store %arg7[%swap3A_143], %swap3A_146 {strides = array<i32>} : memref<49152xf32, #tpu.memory_space<vmem>>, vector<16xf32>,
      %get3A_147 = arith.constant 48 : index
      %get3A_148 = tpu.vector_load %arg6[%get3A_147] {strides = array<i32>} : memref<768xf32, #tpu.memory_space<vmem>>, vector<16xf32>,
      %get3A_149 = vector.shape_cast %get3A_148 : vector<16xf32> to vector<16xf32>
      %mul3A_150 = arith.constant 768 : i32
      %mul3A_151 = arith.muli %scan3A_115, %mul3A_150 : i32
      %add3A_152 = arith.constant 48 : i32
      %add3A_153 = arith.addi %mul3A_151, %add3A_152 : i32
      %swap3A_154 = arith.index_cast %add3A_153 : i32 to index
      %swap3A_155 = tpu.vector_load %arg7[%swap3A_154] {strides = array<i32>} : memref<49152xf32, #tpu.memory_space<vmem>>, vector<16xf32>,
      %swap3A_156 = vector.shape_cast %swap3A_155 : vector<16xf32> to vector<16xf32>
      %swap3A_157 = vector.shape_cast %get3A_149 : vector<16xf32> to vector<16xf32>
      tpu.vector_store %arg7[%swap3A_154], %swap3A_157 {strides = array<i32>} : memref<49152xf32, #tpu.memory_space<vmem>>, vector<16xf32>,
      %get3A_158 = arith.constant 64 : index
      %get3A_159 = tpu.vector_load %arg6[%get3A_158] {strides = array<i32>} : memref<768xf32, #tpu.memory_space<vmem>>, vector<16xf32>,
      %get3A_160 = vector.shape_cast %get3A_159 : vector<16xf32> to vector<16xf32>
      %mul3A_161 = arith.constant 768 : i32
      %mul3A_162 = arith.muli %scan3A_115, %mul3A_161 : i32
      %add3A_163 = arith.constant 64 : i32
      %add3A_164 = arith.addi %mul3A_162, %add3A_163 : i32
      %swap3A_165 = arith.index_cast %add3A_164 : i32 to index
      %swap3A_166 = tpu.vector_load %arg7[%swap3A_165] {strides = array<i32>} : memref<49152xf32, #tpu.memory_space<vmem>>, vector<16xf32>,
      %swap3A_167 = vector.shape_cast %swap3A_166 : vector<16xf32> to vector<16xf32>
      %swap3A_168 = vector.shape_cast %get3A_160 : vector<16xf32> to vector<16xf32>
      tpu.vector_store %arg7[%swap3A_165], %swap3A_168 {strides = array<i32>} : memref<49152xf32, #tpu.memory_space<vmem>>, vector<16xf32>,
      %get3A_169 = arith.constant 80 : index
      %get3A_170 = tpu.vector_load %arg6[%get3A_169] {strides = array<i32>} : memref<768xf32, #tpu.memory_space<vmem>>, vector<16xf32>,
      %get3A_171 = vector.shape_cast %get3A_170 : vector<16xf32> to vector<16xf32>
      %mul3A_172 = arith.constant 768 : i32
      %mul3A_173 = arith.muli %scan3A_115, %mul3A_172 : i32
      %add3A_174 = arith.constant 80 : i32
      %add3A_175 = arith.addi %mul3A_173, %add3A_174 : i32
      %swap3A_176 = arith.index_cast %add3A_175 : i32 to index
      %swap3A_177 = tpu.vector_load %arg7[%swap3A_176] {strides = array<i32>} : memref<49152xf32, #tpu.memory_space<vmem>>, vector<16xf32>,
      %swap3A_178 = vector.shape_cast %swap3A_177 : vector<16xf32> to vector<16xf32>
      %swap3A_179 = vector.shape_cast %get3A_171 : vector<16xf32> to vector<16xf32>
      tpu.vector_store %arg7[%swap3A_176], %swap3A_179 {strides = array<i32>} : memref<49152xf32, #tpu.memory_space<vmem>>, vector<16xf32>,
      %get3A_180 = arith.constant 96 : index
      %get3A_181 = tpu.vector_load %arg6[%get3A_180] {strides = array<i32>} : memref<768xf32, #tpu.memory_space<vmem>>, vector<16xf32>,
      %get3A_182 = vector.shape_cast %get3A_181 : vector<16xf32> to vector<16xf32>
      %mul3A_183 = arith.constant 768 : i32
      %mul3A_184 = arith.muli %scan3A_115, %mul3A_183 : i32
      %add3A_185 = arith.constant 96 : i32
      %add3A_186 = arith.addi %mul3A_184, %add3A_185 : i32
      %swap3A_187 = arith.index_cast %add3A_186 : i32 to index
      %swap3A_188 = tpu.vector_load %arg7[%swap3A_187] {strides = array<i32>} : memref<49152xf32, #tpu.memory_space<vmem>>, vector<16xf32>,
      %swap3A_189 = vector.shape_cast %swap3A_188 : vector<16xf32> to vector<16xf32>
      %swap3A_190 = vector.shape_cast %get3A_182 : vector<16xf32> to vector<16xf32>
      tpu.vector_store %arg7[%swap3A_187], %swap3A_190 {strides = array<i32>} : memref<49152xf32, #tpu.memory_space<vmem>>, vector<16xf32>,
      %get3A_191 = arith.constant 112 : index
      %get3A_192 = tpu.vector_load %arg6[%get3A_191] {strides = array<i32>} : memref<768xf32, #tpu.memory_space<vmem>>, vector<16xf32>,
      %get3A_193 = vector.shape_cast %get3A_192 : vector<16xf32> to vector<16xf32>
      %mul3A_194 = arith.constant 768 : i32
      %mul3A_195 = arith.muli %scan3A_115, %mul3A_194 : i32
      %add3A_196 = arith.constant 112 : i32
      %add3A_197 = arith.addi %mul3A_195, %add3A_196 : i32
      %swap3A_198 = arith.index_cast %add3A_197 : i32 to index
      %swap3A_199 = tpu.vector_load %arg7[%swap3A_198] {strides = array<i32>} : memref<49152xf32, #tpu.memory_space<vmem>>, vector<16xf32>,
      %swap3A_200 = vector.shape_cast %swap3A_199 : vector<16xf32> to vector<16xf32>
      %swap3A_201 = vector.shape_cast %get3A_193 : vector<16xf32> to vector<16xf32>
      tpu.vector_store %arg7[%swap3A_198], %swap3A_201 {strides = array<i32>} : memref<49152xf32, #tpu.memory_space<vmem>>, vector<16xf32>,
      %get3A_202 = arith.constant 128 : index
      %get3A_203 = tpu.vector_load %arg6[%get3A_202] {strides = array<i32>} : memref<768xf32, #tpu.memory_space<vmem>>, vector<16xf32>,
      %get3A_204 = vector.shape_cast %get3A_203 : vector<16xf32> to vector<16xf32>
      %mul3A_205 = arith.constant 768 : i32
      %mul3A_206 = arith.muli %scan3A_115, %mul3A_205 : i32
      %add3A_207 = arith.constant 128 : i32
      %add3A_208 = arith.addi %mul3A_206, %add3A_207 : i32
      %swap3A_209 = arith.index_cast %add3A_208 : i32 to index
      %swap3A_210 = tpu.vector_load %arg7[%swap3A_209] {strides = array<i32>} : memref<49152xf32, #tpu.memory_space<vmem>>, vector<16xf32>,
      %swap3A_211 = vector.shape_cast %swap3A_210 : vector<16xf32> to vector<16xf32>
      %swap3A_212 = vector.shape_cast %get3A_204 : vector<16xf32> to vector<16xf32>
      tpu.vector_store %arg7[%swap3A_209], %swap3A_212 {strides = array<i32>} : memref<49152xf32, #tpu.memory_space<vmem>>, vector<16xf32>,
      %get3A_213 = arith.constant 144 : index
      %get3A_214 = tpu.vector_load %arg6[%get3A_213] {strides = array<i32>} : memref<768xf32, #tpu.memory_space<vmem>>, vector<16xf32>,
      %get3A_215 = vector.shape_cast %get3A_214 : vector<16xf32> to vector<16xf32>
      %mul3A_216 = arith.constant 768 : i32
      %mul3A_217 = arith.muli %scan3A_115, %mul3A_216 : i32
      %add3A_218 = arith.constant 144 : i32
      %add3A_219 = arith.addi %mul3A_217, %add3A_218 : i32
      %swap3A_220 = arith.index_cast %add3A_219 : i32 to index
      %swap3A_221 = tpu.vector_load %arg7[%swap3A_220] {strides = array<i32>} : memref<49152xf32, #tpu.memory_space<vmem>>, vector<16xf32>,
      %swap3A_222 = vector.shape_cast %swap3A_221 : vector<16xf32> to vector<16xf32>
      %swap3A_223 = vector.shape_cast %get3A_215 : vector<16xf32> to vector<16xf32>
      tpu.vector_store %arg7[%swap3A_220], %swap3A_223 {strides = array<i32>} : memref<49152xf32, #tpu.memory_space<vmem>>, vector<16xf32>,
      %get3A_224 = arith.constant 160 : index
      %get3A_225 = tpu.vector_load %arg6[%get3A_224] {strides = array<i32>} : memref<768xf32, #tpu.memory_space<vmem>>, vector<16xf32>,
      %get3A_226 = vector.shape_cast %get3A_225 : vector<16xf32> to vector<16xf32>
      %mul3A_227 = arith.constant 768 : i32
      %mul3A_228 = arith.muli %scan3A_115, %mul3A_227 : i32
      %add3A_229 = arith.constant 160 : i32
      %add3A_230 = arith.addi %mul3A_228, %add3A_229 : i32
      %swap3A_231 = arith.index_cast %add3A_230 : i32 to index
      %swap3A_232 = tpu.vector_load %arg7[%swap3A_231] {strides = array<i32>} : memref<49152xf32, #tpu.memory_space<vmem>>, vector<16xf32>,
      %swap3A_233 = vector.shape_cast %swap3A_232 : vector<16xf32> to vector<16xf32>
      %swap3A_234 = vector.shape_cast %get3A_226 : vector<16xf32> to vector<16xf32>
      tpu.vector_store %arg7[%swap3A_231], %swap3A_234 {strides = array<i32>} : memref<49152xf32, #tpu.memory_space<vmem>>, vector<16xf32>,
      %get3A_235 = arith.constant 176 : index
      %get3A_236 = tpu.vector_load %arg6[%get3A_235] {strides = array<i32>} : memref<768xf32, #tpu.memory_space<vmem>>, vector<16xf32>,
      %get3A_237 = vector.shape_cast %get3A_236 : vector<16xf32> to vector<16xf32>
      %mul3A_238 = arith.constant 768 : i32
      %mul3A_239 = arith.muli %scan3A_115, %mul3A_238 : i32
      %add3A_240 = arith.constant 176 : i32
      %add3A_241 = arith.addi %mul3A_239, %add3A_240 : i32
      %swap3A_242 = arith.index_cast %add3A_241 : i32 to index
      %swap3A_243 = tpu.vector_load %arg7[%swap3A_242] {strides = array<i32>} : memref<49152xf32, #tpu.memory_space<vmem>>, vector<16xf32>,
      %swap3A_244 = vector.shape_cast %swap3A_243 : vector<16xf32> to vector<16xf32>
      %swap3A_245 = vector.shape_cast %get3A_237 : vector<16xf32> to vector<16xf32>
      tpu.vector_store %arg7[%swap3A_242], %swap3A_245 {strides = array<i32>} : memref<49152xf32, #tpu.memory_space<vmem>>, vector<16xf32>,
      %get3A_246 = arith.constant 192 : index
      %get3A_247 = tpu.vector_load %arg6[%get3A_246] {strides = array<i32>} : memref<768xf32, #tpu.memory_space<vmem>>, vector<16xf32>,
      %get3A_248 = vector.shape_cast %get3A_247 : vector<16xf32> to vector<16xf32>
      %mul3A_249 = arith.constant 768 : i32
      %mul3A_250 = arith.muli %scan3A_115, %mul3A_249 : i32
      %add3A_251 = arith.constant 192 : i32
      %add3A_252 = arith.addi %mul3A_250, %add3A_251 : i32
      %swap3A_253 = arith.index_cast %add3A_252 : i32 to index
      %swap3A_254 = tpu.vector_load %arg7[%swap3A_253] {strides = array<i32>} : memref<49152xf32, #tpu.memory_space<vmem>>, vector<16xf32>,
      %swap3A_255 = vector.shape_cast %swap3A_254 : vector<16xf32> to vector<16xf32>
      %swap3A_256 = vector.shape_cast %get3A_248 : vector<16xf32> to vector<16xf32>
      tpu.vector_store %arg7[%swap3A_253], %swap3A_256 {strides = array<i32>} : memref<49152xf32, #tpu.memory_space<vmem>>, vector<16xf32>,
      %get3A_257 = arith.constant 208 : index
      %get3A_258 = tpu.vector_load %arg6[%get3A_257] {strides = array<i32>} : memref<768xf32, #tpu.memory_space<vmem>>, vector<16xf32>,
      %get3A_259 = vector.shape_cast %get3A_258 : vector<16xf32> to vector<16xf32>
      %mul3A_260 = arith.constant 768 : i32
      %mul3A_261 = arith.muli %scan3A_115, %mul3A_260 : i32
      %add3A_262 = arith.constant 208 : i32
      %add3A_263 = arith.addi %mul3A_261, %add3A_262 : i32
      %swap3A_264 = arith.index_cast %add3A_263 : i32 to index
      %swap3A_265 = tpu.vector_load %arg7[%swap3A_264] {strides = array<i32>} : memref<49152xf32, #tpu.memory_space<vmem>>, vector<16xf32>,
      %swap3A_266 = vector.shape_cast %swap3A_265 : vector<16xf32> to vector<16xf32>
      %swap3A_267 = vector.shape_cast %get3A_259 : vector<16xf32> to vector<16xf32>
      tpu.vector_store %arg7[%swap3A_264], %swap3A_267 {strides = array<i32>} : memref<49152xf32, #tpu.memory_space<vmem>>, vector<16xf32>,
      %get3A_268 = arith.constant 224 : index
      %get3A_269 = tpu.vector_load %arg6[%get3A_268] {strides = array<i32>} : memref<768xf32, #tpu.memory_space<vmem>>, vector<16xf32>,
      %get3A_270 = vector.shape_cast %get3A_269 : vector<16xf32> to vector<16xf32>
      %mul3A_271 = arith.constant 768 : i32
      %mul3A_272 = arith.muli %scan3A_115, %mul3A_271 : i32
      %add3A_273 = arith.constant 224 : i32
      %add3A_274 = arith.addi %mul3A_272, %add3A_273 : i32
      %swap3A_275 = arith.index_cast %add3A_274 : i32 to index
      %swap3A_276 = tpu.vector_load %arg7[%swap3A_275] {strides = array<i32>} : memref<49152xf32, #tpu.memory_space<vmem>>, vector<16xf32>,
      %swap3A_277 = vector.shape_cast %swap3A_276 : vector<16xf32> to vector<16xf32>
      %swap3A_278 = vector.shape_cast %get3A_270 : vector<16xf32> to vector<16xf32>
      tpu.vector_store %arg7[%swap3A_275], %swap3A_278 {strides = array<i32>} : memref<49152xf32, #tpu.memory_space<vmem>>, vector<16xf32>,
      %get3A_279 = arith.constant 240 : index
      %get3A_280 = tpu.vector_load %arg6[%get3A_279] {strides = array<i32>} : memref<768xf32, #tpu.memory_space<vmem>>, vector<16xf32>,
      %get3A_281 = vector.shape_cast %get3A_280 : vector<16xf32> to vector<16xf32>
      %mul3A_282 = arith.constant 768 : i32
      %mul3A_283 = arith.muli %scan3A_115, %mul3A_282 : i32
      %add3A_284 = arith.constant 240 : i32
      %add3A_285 = arith.addi %mul3A_283, %add3A_284 : i32
      %swap3A_286 = arith.index_cast %add3A_285 : i32 to index
      %swap3A_287 = tpu.vector_load %arg7[%swap3A_286] {strides = array<i32>} : memref<49152xf32, #tpu.memory_space<vmem>>, vector<16xf32>,
      %swap3A_288 = vector.shape_cast %swap3A_287 : vector<16xf32> to vector<16xf32>
      %swap3A_289 = vector.shape_cast %get3A_281 : vector<16xf32> to vector<16xf32>
      tpu.vector_store %arg7[%swap3A_286], %swap3A_289 {strides = array<i32>} : memref<49152xf32, #tpu.memory_space<vmem>>, vector<16xf32>,
      %get3A_290 = arith.constant 256 : index
      %get3A_291 = tpu.vector_load %arg6[%get3A_290] {strides = array<i32>} : memref<768xf32, #tpu.memory_space<vmem>>, vector<16xf32>,
      %get3A_292 = vector.shape_cast %get3A_291 : vector<16xf32> to vector<16xf32>
      %mul3A_293 = arith.constant 768 : i32
      %mul3A_294 = arith.muli %scan3A_115, %mul3A_293 : i32
      %add3A_295 = arith.constant 256 : i32
      %add3A_296 = arith.addi %mul3A_294, %add3A_295 : i32
      %swap3A_297 = arith.index_cast %add3A_296 : i32 to index
      %swap3A_298 = tpu.vector_load %arg7[%swap3A_297] {strides = array<i32>} : memref<49152xf32, #tpu.memory_space<vmem>>, vector<16xf32>,
      %swap3A_299 = vector.shape_cast %swap3A_298 : vector<16xf32> to vector<16xf32>
      %swap3A_300 = vector.shape_cast %get3A_292 : vector<16xf32> to vector<16xf32>
      tpu.vector_store %arg7[%swap3A_297], %swap3A_300 {strides = array<i32>} : memref<49152xf32, #tpu.memory_space<vmem>>, vector<16xf32>,
      %get3A_301 = arith.constant 272 : index
      %get3A_302 = tpu.vector_load %arg6[%get3A_301] {strides = array<i32>} : memref<768xf32, #tpu.memory_space<vmem>>, vector<16xf32>,
      %get3A_303 = vector.shape_cast %get3A_302 : vector<16xf32> to vector<16xf32>
      %mul3A_304 = arith.constant 768 : i32
      %mul3A_305 = arith.muli %scan3A_115, %mul3A_304 : i32
      %add3A_306 = arith.constant 272 : i32
      %add3A_307 = arith.addi %mul3A_305, %add3A_306 : i32
      %swap3A_308 = arith.index_cast %add3A_307 : i32 to index
      %swap3A_309 = tpu.vector_load %arg7[%swap3A_308] {strides = array<i32>} : memref<49152xf32, #tpu.memory_space<vmem>>, vector<16xf32>,
      %swap3A_310 = vector.shape_cast %swap3A_309 : vector<16xf32> to vector<16xf32>
      %swap3A_311 = vector.shape_cast %get3A_303 : vector<16xf32> to vector<16xf32>
      tpu.vector_store %arg7[%swap3A_308], %swap3A_311 {strides = array<i32>} : memref<49152xf32, #tpu.memory_space<vmem>>, vector<16xf32>,
      %get3A_312 = arith.constant 288 : index
      %get3A_313 = tpu.vector_load %arg6[%get3A_312] {strides = array<i32>} : memref<768xf32, #tpu.memory_space<vmem>>, vector<16xf32>,
      %get3A_314 = vector.shape_cast %get3A_313 : vector<16xf32> to vector<16xf32>
      %mul3A_315 = arith.constant 768 : i32
      %mul3A_316 = arith.muli %scan3A_115, %mul3A_315 : i32
      %add3A_317 = arith.constant 288 : i32
      %add3A_318 = arith.addi %mul3A_316, %add3A_317 : i32
      %swap3A_319 = arith.index_cast %add3A_318 : i32 to index
      %swap3A_320 = tpu.vector_load %arg7[%swap3A_319] {strides = array<i32>} : memref<49152xf32, #tpu.memory_space<vmem>>, vector<16xf32>,
      %swap3A_321 = vector.shape_cast %swap3A_320 : vector<16xf32> to vector<16xf32>
      %swap3A_322 = vector.shape_cast %get3A_314 : vector<16xf32> to vector<16xf32>
      tpu.vector_store %arg7[%swap3A_319], %swap3A_322 {strides = array<i32>} : memref<49152xf32, #tpu.memory_space<vmem>>, vector<16xf32>,
      %get3A_323 = arith.constant 304 : index
      %get3A_324 = tpu.vector_load %arg6[%get3A_323] {strides = array<i32>} : memref<768xf32, #tpu.memory_space<vmem>>, vector<16xf32>,
      %get3A_325 = vector.shape_cast %get3A_324 : vector<16xf32> to vector<16xf32>
      %mul3A_326 = arith.constant 768 : i32
      %mul3A_327 = arith.muli %scan3A_115, %mul3A_326 : i32
      %add3A_328 = arith.constant 304 : i32
      %add3A_329 = arith.addi %mul3A_327, %add3A_328 : i32
      %swap3A_330 = arith.index_cast %add3A_329 : i32 to index
      %swap3A_331 = tpu.vector_load %arg7[%swap3A_330] {strides = array<i32>} : memref<49152xf32, #tpu.memory_space<vmem>>, vector<16xf32>,
      %swap3A_332 = vector.shape_cast %swap3A_331 : vector<16xf32> to vector<16xf32>
      %swap3A_333 = vector.shape_cast %get3A_325 : vector<16xf32> to vector<16xf32>
      tpu.vector_store %arg7[%swap3A_330], %swap3A_333 {strides = array<i32>} : memref<49152xf32, #tpu.memory_space<vmem>>, vector<16xf32>,
      %get3A_334 = arith.constant 320 : index
      %get3A_335 = tpu.vector_load %arg6[%get3A_334] {strides = array<i32>} : memref<768xf32, #tpu.memory_space<vmem>>, vector<16xf32>,
      %get3A_336 = vector.shape_cast %get3A_335 : vector<16xf32> to vector<16xf32>
      %mul3A_337 = arith.constant 768 : i32
      %mul3A_338 = arith.muli %scan3A_115, %mul3A_337 : i32
      %add3A_339 = arith.constant 320 : i32
      %add3A_340 = arith.addi %mul3A_338, %add3A_339 : i32
      %swap3A_341 = arith.index_cast %add3A_340 : i32 to index
      %swap3A_342 = tpu.vector_load %arg7[%swap3A_341] {strides = array<i32>} : memref<49152xf32, #tpu.memory_space<vmem>>, vector<16xf32>,
      %swap3A_343 = vector.shape_cast %swap3A_342 : vector<16xf32> to vector<16xf32>
      %swap3A_344 = vector.shape_cast %get3A_336 : vector<16xf32> to vector<16xf32>
      tpu.vector_store %arg7[%swap3A_341], %swap3A_344 {strides = array<i32>} : memref<49152xf32, #tpu.memory_space<vmem>>, vector<16xf32>,
      %get3A_345 = arith.constant 336 : index
      %get3A_346 = tpu.vector_load %arg6[%get3A_345] {strides = array<i32>} : memref<768xf32, #tpu.memory_space<vmem>>, vector<16xf32>,
      %get3A_347 = vector.shape_cast %get3A_346 : vector<16xf32> to vector<16xf32>
      %mul3A_348 = arith.constant 768 : i32
      %mul3A_349 = arith.muli %scan3A_115, %mul3A_348 : i32
      %add3A_350 = arith.constant 336 : i32
      %add3A_351 = arith.addi %mul3A_349, %add3A_350 : i32
      %swap3A_352 = arith.index_cast %add3A_351 : i32 to index
      %swap3A_353 = tpu.vector_load %arg7[%swap3A_352] {strides = array<i32>} : memref<49152xf32, #tpu.memory_space<vmem>>, vector<16xf32>,
      %swap3A_354 = vector.shape_cast %swap3A_353 : vector<16xf32> to vector<16xf32>
      %swap3A_355 = vector.shape_cast %get3A_347 : vector<16xf32> to vector<16xf32>
      tpu.vector_store %arg7[%swap3A_352], %swap3A_355 {strides = array<i32>} : memref<49152xf32, #tpu.memory_space<vmem>>, vector<16xf32>,
      %get3A_356 = arith.constant 352 : index
      %get3A_357 = tpu.vector_load %arg6[%get3A_356] {strides = array<i32>} : memref<768xf32, #tpu.memory_space<vmem>>, vector<16xf32>,
      %get3A_358 = vector.shape_cast %get3A_357 : vector<16xf32> to vector<16xf32>
      %mul3A_359 = arith.constant 768 : i32
      %mul3A_360 = arith.muli %scan3A_115, %mul3A_359 : i32
      %add3A_361 = arith.constant 352 : i32
      %add3A_362 = arith.addi %mul3A_360, %add3A_361 : i32
      %swap3A_363 = arith.index_cast %add3A_362 : i32 to index
      %swap3A_364 = tpu.vector_load %arg7[%swap3A_363] {strides = array<i32>} : memref<49152xf32, #tpu.memory_space<vmem>>, vector<16xf32>,
      %swap3A_365 = vector.shape_cast %swap3A_364 : vector<16xf32> to vector<16xf32>
      %swap3A_366 = vector.shape_cast %get3A_358 : vector<16xf32> to vector<16xf32>
      tpu.vector_store %arg7[%swap3A_363], %swap3A_366 {strides = array<i32>} : memref<49152xf32, #tpu.memory_space<vmem>>, vector<16xf32>,
      %get3A_367 = arith.constant 368 : index
      %get3A_368 = tpu.vector_load %arg6[%get3A_367] {strides = array<i32>} : memref<768xf32, #tpu.memory_space<vmem>>, vector<16xf32>,
      %get3A_369 = vector.shape_cast %get3A_368 : vector<16xf32> to vector<16xf32>
      %mul3A_370 = arith.constant 768 : i32
      %mul3A_371 = arith.muli %scan3A_115, %mul3A_370 : i32
      %add3A_372 = arith.constant 368 : i32
      %add3A_373 = arith.addi %mul3A_371, %add3A_372 : i32
      %swap3A_374 = arith.index_cast %add3A_373 : i32 to index
      %swap3A_375 = tpu.vector_load %arg7[%swap3A_374] {strides = array<i32>} : memref<49152xf32, #tpu.memory_space<vmem>>, vector<16xf32>,
      %swap3A_376 = vector.shape_cast %swap3A_375 : vector<16xf32> to vector<16xf32>
      %swap3A_377 = vector.shape_cast %get3A_369 : vector<16xf32> to vector<16xf32>
      tpu.vector_store %arg7[%swap3A_374], %swap3A_377 {strides = array<i32>} : memref<49152xf32, #tpu.memory_space<vmem>>, vector<16xf32>,
      %get3A_378 = arith.constant 384 : index
      %get3A_379 = tpu.vector_load %arg6[%get3A_378] {strides = array<i32>} : memref<768xf32, #tpu.memory_space<vmem>>, vector<16xf32>,
      %get3A_380 = vector.shape_cast %get3A_379 : vector<16xf32> to vector<16xf32>
      %mul3A_381 = arith.constant 768 : i32
      %mul3A_382 = arith.muli %scan3A_115, %mul3A_381 : i32
      %add3A_383 = arith.constant 384 : i32
      %add3A_384 = arith.addi %mul3A_382, %add3A_383 : i32
      %swap3A_385 = arith.index_cast %add3A_384 : i32 to index
      %swap3A_386 = tpu.vector_load %arg7[%swap3A_385] {strides = array<i32>} : memref<49152xf32, #tpu.memory_space<vmem>>, vector<16xf32>,
      %swap3A_387 = vector.shape_cast %swap3A_386 : vector<16xf32> to vector<16xf32>
      %swap3A_388 = vector.shape_cast %get3A_380 : vector<16xf32> to vector<16xf32>
      tpu.vector_store %arg7[%swap3A_385], %swap3A_388 {strides = array<i32>} : memref<49152xf32, #tpu.memory_space<vmem>>, vector<16xf32>,
      %get3A_389 = arith.constant 400 : index
      %get3A_390 = tpu.vector_load %arg6[%get3A_389] {strides = array<i32>} : memref<768xf32, #tpu.memory_space<vmem>>, vector<16xf32>,
      %get3A_391 = vector.shape_cast %get3A_390 : vector<16xf32> to vector<16xf32>
      %mul3A_392 = arith.constant 768 : i32
      %mul3A_393 = arith.muli %scan3A_115, %mul3A_392 : i32
      %add3A_394 = arith.constant 400 : i32
      %add3A_395 = arith.addi %mul3A_393, %add3A_394 : i32
      %swap3A_396 = arith.index_cast %add3A_395 : i32 to index
      %swap3A_397 = tpu.vector_load %arg7[%swap3A_396] {strides = array<i32>} : memref<49152xf32, #tpu.memory_space<vmem>>, vector<16xf32>,
      %swap3A_398 = vector.shape_cast %swap3A_397 : vector<16xf32> to vector<16xf32>
      %swap3A_399 = vector.shape_cast %get3A_391 : vector<16xf32> to vector<16xf32>
      tpu.vector_store %arg7[%swap3A_396], %swap3A_399 {strides = array<i32>} : memref<49152xf32, #tpu.memory_space<vmem>>, vector<16xf32>,
      %get3A_400 = arith.constant 416 : index
      %get3A_401 = tpu.vector_load %arg6[%get3A_400] {strides = array<i32>} : memref<768xf32, #tpu.memory_space<vmem>>, vector<16xf32>,
      %get3A_402 = vector.shape_cast %get3A_401 : vector<16xf32> to vector<16xf32>
      %mul3A_403 = arith.constant 768 : i32
      %mul3A_404 = arith.muli %scan3A_115, %mul3A_403 : i32
      %add3A_405 = arith.constant 416 : i32
      %add3A_406 = arith.addi %mul3A_404, %add3A_405 : i32
      %swap3A_407 = arith.index_cast %add3A_406 : i32 to index
      %swap3A_408 = tpu.vector_load %arg7[%swap3A_407] {strides = array<i32>} : memref<49152xf32, #tpu.memory_space<vmem>>, vector<16xf32>,
      %swap3A_409 = vector.shape_cast %swap3A_408 : vector<16xf32> to vector<16xf32>
      %swap3A_410 = vector.shape_cast %get3A_402 : vector<16xf32> to vector<16xf32>
      tpu.vector_store %arg7[%swap3A_407], %swap3A_410 {strides = array<i32>} : memref<49152xf32, #tpu.memory_space<vmem>>, vector<16xf32>,
      %get3A_411 = arith.constant 432 : index
      %get3A_412 = tpu.vector_load %arg6[%get3A_411] {strides = array<i32>} : memref<768xf32, #tpu.memory_space<vmem>>, vector<16xf32>,
      %get3A_413 = vector.shape_cast %get3A_412 : vector<16xf32> to vector<16xf32>
      %mul3A_414 = arith.constant 768 : i32
      %mul3A_415 = arith.muli %scan3A_115, %mul3A_414 : i32
      %add3A_416 = arith.constant 432 : i32
      %add3A_417 = arith.addi %mul3A_415, %add3A_416 : i32
      %swap3A_418 = arith.index_cast %add3A_417 : i32 to index
      %swap3A_419 = tpu.vector_load %arg7[%swap3A_418] {strides = array<i32>} : memref<49152xf32, #tpu.memory_space<vmem>>, vector<16xf32>,
      %swap3A_420 = vector.shape_cast %swap3A_419 : vector<16xf32> to vector<16xf32>
      %swap3A_421 = vector.shape_cast %get3A_413 : vector<16xf32> to vector<16xf32>
      tpu.vector_store %arg7[%swap3A_418], %swap3A_421 {strides = array<i32>} : memref<49152xf32, #tpu.memory_space<vmem>>, vector<16xf32>,
      %get3A_422 = arith.constant 448 : index
      %get3A_423 = tpu.vector_load %arg6[%get3A_422] {strides = array<i32>} : memref<768xf32, #tpu.memory_space<vmem>>, vector<16xf32>,
      %get3A_424 = vector.shape_cast %get3A_423 : vector<16xf32> to vector<16xf32>
      %mul3A_425 = arith.constant 768 : i32
      %mul3A_426 = arith.muli %scan3A_115, %mul3A_425 : i32
      %add3A_427 = arith.constant 448 : i32
      %add3A_428 = arith.addi %mul3A_426, %add3A_427 : i32
      %swap3A_429 = arith.index_cast %add3A_428 : i32 to index
      %swap3A_430 = tpu.vector_load %arg7[%swap3A_429] {strides = array<i32>} : memref<49152xf32, #tpu.memory_space<vmem>>, vector<16xf32>,
      %swap3A_431 = vector.shape_cast %swap3A_430 : vector<16xf32> to vector<16xf32>
      %swap3A_432 = vector.shape_cast %get3A_424 : vector<16xf32> to vector<16xf32>
      tpu.vector_store %arg7[%swap3A_429], %swap3A_432 {strides = array<i32>} : memref<49152xf32, #tpu.memory_space<vmem>>, vector<16xf32>,
      %get3A_433 = arith.constant 464 : index
      %get3A_434 = tpu.vector_load %arg6[%get3A_433] {strides = array<i32>} : memref<768xf32, #tpu.memory_space<vmem>>, vector<16xf32>,
      %get3A_435 = vector.shape_cast %get3A_434 : vector<16xf32> to vector<16xf32>
      %mul3A_436 = arith.constant 768 : i32
      %mul3A_437 = arith.muli %scan3A_115, %mul3A_436 : i32
      %add3A_438 = arith.constant 464 : i32
      %add3A_439 = arith.addi %mul3A_437, %add3A_438 : i32
      %swap3A_440 = arith.index_cast %add3A_439 : i32 to index
      %swap3A_441 = tpu.vector_load %arg7[%swap3A_440] {strides = array<i32>} : memref<49152xf32, #tpu.memory_space<vmem>>, vector<16xf32>,
      %swap3A_442 = vector.shape_cast %swap3A_441 : vector<16xf32> to vector<16xf32>
      %swap3A_443 = vector.shape_cast %get3A_435 : vector<16xf32> to vector<16xf32>
      tpu.vector_store %arg7[%swap3A_440], %swap3A_443 {strides = array<i32>} : memref<49152xf32, #tpu.memory_space<vmem>>, vector<16xf32>,
      %get3A_444 = arith.constant 480 : index
      %get3A_445 = tpu.vector_load %arg6[%get3A_444] {strides = array<i32>} : memref<768xf32, #tpu.memory_space<vmem>>, vector<16xf32>,
      %get3A_446 = vector.shape_cast %get3A_445 : vector<16xf32> to vector<16xf32>
      %mul3A_447 = arith.constant 768 : i32
      %mul3A_448 = arith.muli %scan3A_115, %mul3A_447 : i32
      %add3A_449 = arith.constant 480 : i32
      %add3A_450 = arith.addi %mul3A_448, %add3A_449 : i32
      %swap3A_451 = arith.index_cast %add3A_450 : i32 to index
      %swap3A_452 = tpu.vector_load %arg7[%swap3A_451] {strides = array<i32>} : memref<49152xf32, #tpu.memory_space<vmem>>, vector<16xf32>,
      %swap3A_453 = vector.shape_cast %swap3A_452 : vector<16xf32> to vector<16xf32>
      %swap3A_454 = vector.shape_cast %get3A_446 : vector<16xf32> to vector<16xf32>
      tpu.vector_store %arg7[%swap3A_451], %swap3A_454 {strides = array<i32>} : memref<49152xf32, #tpu.memory_space<vmem>>, vector<16xf32>,
      %get3A_455 = arith.constant 496 : index
      %get3A_456 = tpu.vector_load %arg6[%get3A_455] {strides = array<i32>} : memref<768xf32, #tpu.memory_space<vmem>>, vector<16xf32>,
      %get3A_457 = vector.shape_cast %get3A_456 : vector<16xf32> to vector<16xf32>
      %mul3A_458 = arith.constant 768 : i32
      %mul3A_459 = arith.muli %scan3A_115, %mul3A_458 : i32
      %add3A_460 = arith.constant 496 : i32
      %add3A_461 = arith.addi %mul3A_459, %add3A_460 : i32
      %swap3A_462 = arith.index_cast %add3A_461 : i32 to index
      %swap3A_463 = tpu.vector_load %arg7[%swap3A_462] {strides = array<i32>} : memref<49152xf32, #tpu.memory_space<vmem>>, vector<16xf32>,
      %swap3A_464 = vector.shape_cast %swap3A_463 : vector<16xf32> to vector<16xf32>
      %swap3A_465 = vector.shape_cast %get3A_457 : vector<16xf32> to vector<16xf32>
      tpu.vector_store %arg7[%swap3A_462], %swap3A_465 {strides = array<i32>} : memref<49152xf32, #tpu.memory_space<vmem>>, vector<16xf32>,
      %get3A_466 = arith.constant 512 : index
      %get3A_467 = tpu.vector_load %arg6[%get3A_466] {strides = array<i32>} : memref<768xf32, #tpu.memory_space<vmem>>, vector<16xf32>,
      %get3A_468 = vector.shape_cast %get3A_467 : vector<16xf32> to vector<16xf32>
      %mul3A_469 = arith.constant 768 : i32
      %mul3A_470 = arith.muli %scan3A_115, %mul3A_469 : i32
      %add3A_471 = arith.constant 512 : i32
      %add3A_472 = arith.addi %mul3A_470, %add3A_471 : i32
      %swap3A_473 = arith.index_cast %add3A_472 : i32 to index
      %swap3A_474 = tpu.vector_load %arg7[%swap3A_473] {strides = array<i32>} : memref<49152xf32, #tpu.memory_space<vmem>>, vector<16xf32>,
      %swap3A_475 = vector.shape_cast %swap3A_474 : vector<16xf32> to vector<16xf32>
      %swap3A_476 = vector.shape_cast %get3A_468 : vector<16xf32> to vector<16xf32>
      tpu.vector_store %arg7[%swap3A_473], %swap3A_476 {strides = array<i32>} : memref<49152xf32, #tpu.memory_space<vmem>>, vector<16xf32>,
      %get3A_477 = arith.constant 528 : index
      %get3A_478 = tpu.vector_load %arg6[%get3A_477] {strides = array<i32>} : memref<768xf32, #tpu.memory_space<vmem>>, vector<16xf32>,
      %get3A_479 = vector.shape_cast %get3A_478 : vector<16xf32> to vector<16xf32>
      %mul3A_480 = arith.constant 768 : i32
      %mul3A_481 = arith.muli %scan3A_115, %mul3A_480 : i32
      %add3A_482 = arith.constant 528 : i32
      %add3A_483 = arith.addi %mul3A_481, %add3A_482 : i32
      %swap3A_484 = arith.index_cast %add3A_483 : i32 to index
      %swap3A_485 = tpu.vector_load %arg7[%swap3A_484] {strides = array<i32>} : memref<49152xf32, #tpu.memory_space<vmem>>, vector<16xf32>,
      %swap3A_486 = vector.shape_cast %swap3A_485 : vector<16xf32> to vector<16xf32>
      %swap3A_487 = vector.shape_cast %get3A_479 : vector<16xf32> to vector<16xf32>
      tpu.vector_store %arg7[%swap3A_484], %swap3A_487 {strides = array<i32>} : memref<49152xf32, #tpu.memory_space<vmem>>, vector<16xf32>,
      %get3A_488 = arith.constant 544 : index
      %get3A_489 = tpu.vector_load %arg6[%get3A_488] {strides = array<i32>} : memref<768xf32, #tpu.memory_space<vmem>>, vector<16xf32>,
      %get3A_490 = vector.shape_cast %get3A_489 : vector<16xf32> to vector<16xf32>
      %mul3A_491 = arith.constant 768 : i32
      %mul3A_492 = arith.muli %scan3A_115, %mul3A_491 : i32
      %add3A_493 = arith.constant 544 : i32
      %add3A_494 = arith.addi %mul3A_492, %add3A_493 : i32
      %swap3A_495 = arith.index_cast %add3A_494 : i32 to index
      %swap3A_496 = tpu.vector_load %arg7[%swap3A_495] {strides = array<i32>} : memref<49152xf32, #tpu.memory_space<vmem>>, vector<16xf32>,
      %swap3A_497 = vector.shape_cast %swap3A_496 : vector<16xf32> to vector<16xf32>
      %swap3A_498 = vector.shape_cast %get3A_490 : vector<16xf32> to vector<16xf32>
      tpu.vector_store %arg7[%swap3A_495], %swap3A_498 {strides = array<i32>} : memref<49152xf32, #tpu.memory_space<vmem>>, vector<16xf32>,
      %get3A_499 = arith.constant 560 : index
      %get3A_500 = tpu.vector_load %arg6[%get3A_499] {strides = array<i32>} : memref<768xf32, #tpu.memory_space<vmem>>, vector<16xf32>,
      %get3A_501 = vector.shape_cast %get3A_500 : vector<16xf32> to vector<16xf32>
      %mul3A_502 = arith.constant 768 : i32
      %mul3A_503 = arith.muli %scan3A_115, %mul3A_502 : i32
      %add3A_504 = arith.constant 560 : i32
      %add3A_505 = arith.addi %mul3A_503, %add3A_504 : i32
      %swap3A_506 = arith.index_cast %add3A_505 : i32 to index
      %swap3A_507 = tpu.vector_load %arg7[%swap3A_506] {strides = array<i32>} : memref<49152xf32, #tpu.memory_space<vmem>>, vector<16xf32>,
      %swap3A_508 = vector.shape_cast %swap3A_507 : vector<16xf32> to vector<16xf32>
      %swap3A_509 = vector.shape_cast %get3A_501 : vector<16xf32> to vector<16xf32>
      tpu.vector_store %arg7[%swap3A_506], %swap3A_509 {strides = array<i32>} : memref<49152xf32, #tpu.memory_space<vmem>>, vector<16xf32>,
      %get3A_510 = arith.constant 576 : index
      %get3A_511 = tpu.vector_load %arg6[%get3A_510] {strides = array<i32>} : memref<768xf32, #tpu.memory_space<vmem>>, vector<16xf32>,
      %get3A_512 = vector.shape_cast %get3A_511 : vector<16xf32> to vector<16xf32>
      %mul3A_513 = arith.constant 768 : i32
      %mul3A_514 = arith.muli %scan3A_115, %mul3A_513 : i32
      %add3A_515 = arith.constant 576 : i32
      %add3A_516 = arith.addi %mul3A_514, %add3A_515 : i32
      %swap3A_517 = arith.index_cast %add3A_516 : i32 to index
      %swap3A_518 = tpu.vector_load %arg7[%swap3A_517] {strides = array<i32>} : memref<49152xf32, #tpu.memory_space<vmem>>, vector<16xf32>,
      %swap3A_519 = vector.shape_cast %swap3A_518 : vector<16xf32> to vector<16xf32>
      %swap3A_520 = vector.shape_cast %get3A_512 : vector<16xf32> to vector<16xf32>
      tpu.vector_store %arg7[%swap3A_517], %swap3A_520 {strides = array<i32>} : memref<49152xf32, #tpu.memory_space<vmem>>, vector<16xf32>,
      %get3A_521 = arith.constant 592 : index
      %get3A_522 = tpu.vector_load %arg6[%get3A_521] {strides = array<i32>} : memref<768xf32, #tpu.memory_space<vmem>>, vector<16xf32>,
      %get3A_523 = vector.shape_cast %get3A_522 : vector<16xf32> to vector<16xf32>
      %mul3A_524 = arith.constant 768 : i32
      %mul3A_525 = arith.muli %scan3A_115, %mul3A_524 : i32
      %add3A_526 = arith.constant 592 : i32
      %add3A_527 = arith.addi %mul3A_525, %add3A_526 : i32
      %swap3A_528 = arith.index_cast %add3A_527 : i32 to index
      %swap3A_529 = tpu.vector_load %arg7[%swap3A_528] {strides = array<i32>} : memref<49152xf32, #tpu.memory_space<vmem>>, vector<16xf32>,
      %swap3A_530 = vector.shape_cast %swap3A_529 : vector<16xf32> to vector<16xf32>
      %swap3A_531 = vector.shape_cast %get3A_523 : vector<16xf32> to vector<16xf32>
      tpu.vector_store %arg7[%swap3A_528], %swap3A_531 {strides = array<i32>} : memref<49152xf32, #tpu.memory_space<vmem>>, vector<16xf32>,
      %get3A_532 = arith.constant 608 : index
      %get3A_533 = tpu.vector_load %arg6[%get3A_532] {strides = array<i32>} : memref<768xf32, #tpu.memory_space<vmem>>, vector<16xf32>,
      %get3A_534 = vector.shape_cast %get3A_533 : vector<16xf32> to vector<16xf32>
      %mul3A_535 = arith.constant 768 : i32
      %mul3A_536 = arith.muli %scan3A_115, %mul3A_535 : i32
      %add3A_537 = arith.constant 608 : i32
      %add3A_538 = arith.addi %mul3A_536, %add3A_537 : i32
      %swap3A_539 = arith.index_cast %add3A_538 : i32 to index
      %swap3A_540 = tpu.vector_load %arg7[%swap3A_539] {strides = array<i32>} : memref<49152xf32, #tpu.memory_space<vmem>>, vector<16xf32>,
      %swap3A_541 = vector.shape_cast %swap3A_540 : vector<16xf32> to vector<16xf32>
      %swap3A_542 = vector.shape_cast %get3A_534 : vector<16xf32> to vector<16xf32>
      tpu.vector_store %arg7[%swap3A_539], %swap3A_542 {strides = array<i32>} : memref<49152xf32, #tpu.memory_space<vmem>>, vector<16xf32>,
      %get3A_543 = arith.constant 624 : index
      %get3A_544 = tpu.vector_load %arg6[%get3A_543] {strides = array<i32>} : memref<768xf32, #tpu.memory_space<vmem>>, vector<16xf32>,
      %get3A_545 = vector.shape_cast %get3A_544 : vector<16xf32> to vector<16xf32>
      %mul3A_546 = arith.constant 768 : i32
      %mul3A_547 = arith.muli %scan3A_115, %mul3A_546 : i32
      %add3A_548 = arith.constant 624 : i32
      %add3A_549 = arith.addi %mul3A_547, %add3A_548 : i32
      %swap3A_550 = arith.index_cast %add3A_549 : i32 to index
      %swap3A_551 = tpu.vector_load %arg7[%swap3A_550] {strides = array<i32>} : memref<49152xf32, #tpu.memory_space<vmem>>, vector<16xf32>,
      %swap3A_552 = vector.shape_cast %swap3A_551 : vector<16xf32> to vector<16xf32>
      %swap3A_553 = vector.shape_cast %get3A_545 : vector<16xf32> to vector<16xf32>
      tpu.vector_store %arg7[%swap3A_550], %swap3A_553 {strides = array<i32>} : memref<49152xf32, #tpu.memory_space<vmem>>, vector<16xf32>,
      %get3A_554 = arith.constant 640 : index
      %get3A_555 = tpu.vector_load %arg6[%get3A_554] {strides = array<i32>} : memref<768xf32, #tpu.memory_space<vmem>>, vector<16xf32>,
      %get3A_556 = vector.shape_cast %get3A_555 : vector<16xf32> to vector<16xf32>
      %mul3A_557 = arith.constant 768 : i32
      %mul3A_558 = arith.muli %scan3A_115, %mul3A_557 : i32
      %add3A_559 = arith.constant 640 : i32
      %add3A_560 = arith.addi %mul3A_558, %add3A_559 : i32
      %swap3A_561 = arith.index_cast %add3A_560 : i32 to index
      %swap3A_562 = tpu.vector_load %arg7[%swap3A_561] {strides = array<i32>} : memref<49152xf32, #tpu.memory_space<vmem>>, vector<16xf32>,
      %swap3A_563 = vector.shape_cast %swap3A_562 : vector<16xf32> to vector<16xf32>
      %swap3A_564 = vector.shape_cast %get3A_556 : vector<16xf32> to vector<16xf32>
      tpu.vector_store %arg7[%swap3A_561], %swap3A_564 {strides = array<i32>} : memref<49152xf32, #tpu.memory_space<vmem>>, vector<16xf32>,
      %get3A_565 = arith.constant 656 : index
      %get3A_566 = tpu.vector_load %arg6[%get3A_565] {strides = array<i32>} : memref<768xf32, #tpu.memory_space<vmem>>, vector<16xf32>,
      %get3A_567 = vector.shape_cast %get3A_566 : vector<16xf32> to vector<16xf32>
      %mul3A_568 = arith.constant 768 : i32
      %mul3A_569 = arith.muli %scan3A_115, %mul3A_568 : i32
      %add3A_570 = arith.constant 656 : i32
      %add3A_571 = arith.addi %mul3A_569, %add3A_570 : i32
      %swap3A_572 = arith.index_cast %add3A_571 : i32 to index
      %swap3A_573 = tpu.vector_load %arg7[%swap3A_572] {strides = array<i32>} : memref<49152xf32, #tpu.memory_space<vmem>>, vector<16xf32>,
      %swap3A_574 = vector.shape_cast %swap3A_573 : vector<16xf32> to vector<16xf32>
      %swap3A_575 = vector.shape_cast %get3A_567 : vector<16xf32> to vector<16xf32>
      tpu.vector_store %arg7[%swap3A_572], %swap3A_575 {strides = array<i32>} : memref<49152xf32, #tpu.memory_space<vmem>>, vector<16xf32>,
      %get3A_576 = arith.constant 672 : index
      %get3A_577 = tpu.vector_load %arg6[%get3A_576] {strides = array<i32>} : memref<768xf32, #tpu.memory_space<vmem>>, vector<16xf32>,
      %get3A_578 = vector.shape_cast %get3A_577 : vector<16xf32> to vector<16xf32>
      %mul3A_579 = arith.constant 768 : i32
      %mul3A_580 = arith.muli %scan3A_115, %mul3A_579 : i32
      %add3A_581 = arith.constant 672 : i32
      %add3A_582 = arith.addi %mul3A_580, %add3A_581 : i32
      %swap3A_583 = arith.index_cast %add3A_582 : i32 to index
      %swap3A_584 = tpu.vector_load %arg7[%swap3A_583] {strides = array<i32>} : memref<49152xf32, #tpu.memory_space<vmem>>, vector<16xf32>,
      %swap3A_585 = vector.shape_cast %swap3A_584 : vector<16xf32> to vector<16xf32>
      %swap3A_586 = vector.shape_cast %get3A_578 : vector<16xf32> to vector<16xf32>
      tpu.vector_store %arg7[%swap3A_583], %swap3A_586 {strides = array<i32>} : memref<49152xf32, #tpu.memory_space<vmem>>, vector<16xf32>,
      %get3A_587 = arith.constant 688 : index
      %get3A_588 = tpu.vector_load %arg6[%get3A_587] {strides = array<i32>} : memref<768xf32, #tpu.memory_space<vmem>>, vector<16xf32>,
      %get3A_589 = vector.shape_cast %get3A_588 : vector<16xf32> to vector<16xf32>
      %mul3A_590 = arith.constant 768 : i32
      %mul3A_591 = arith.muli %scan3A_115, %mul3A_590 : i32
      %add3A_592 = arith.constant 688 : i32
      %add3A_593 = arith.addi %mul3A_591, %add3A_592 : i32
      %swap3A_594 = arith.index_cast %add3A_593 : i32 to index
      %swap3A_595 = tpu.vector_load %arg7[%swap3A_594] {strides = array<i32>} : memref<49152xf32, #tpu.memory_space<vmem>>, vector<16xf32>,
      %swap3A_596 = vector.shape_cast %swap3A_595 : vector<16xf32> to vector<16xf32>
      %swap3A_597 = vector.shape_cast %get3A_589 : vector<16xf32> to vector<16xf32>
      tpu.vector_store %arg7[%swap3A_594], %swap3A_597 {strides = array<i32>} : memref<49152xf32, #tpu.memory_space<vmem>>, vector<16xf32>,
      %get3A_598 = arith.constant 704 : index
      %get3A_599 = tpu.vector_load %arg6[%get3A_598] {strides = array<i32>} : memref<768xf32, #tpu.memory_space<vmem>>, vector<16xf32>,
      %get3A_600 = vector.shape_cast %get3A_599 : vector<16xf32> to vector<16xf32>
      %mul3A_601 = arith.constant 768 : i32
      %mul3A_602 = arith.muli %scan3A_115, %mul3A_601 : i32
      %add3A_603 = arith.constant 704 : i32
      %add3A_604 = arith.addi %mul3A_602, %add3A_603 : i32
      %swap3A_605 = arith.index_cast %add3A_604 : i32 to index
      %swap3A_606 = tpu.vector_load %arg7[%swap3A_605] {strides = array<i32>} : memref<49152xf32, #tpu.memory_space<vmem>>, vector<16xf32>,
      %swap3A_607 = vector.shape_cast %swap3A_606 : vector<16xf32> to vector<16xf32>
      %swap3A_608 = vector.shape_cast %get3A_600 : vector<16xf32> to vector<16xf32>
      tpu.vector_store %arg7[%swap3A_605], %swap3A_608 {strides = array<i32>} : memref<49152xf32, #tpu.memory_space<vmem>>, vector<16xf32>,
      %get3A_609 = arith.constant 720 : index
      %get3A_610 = tpu.vector_load %arg6[%get3A_609] {strides = array<i32>} : memref<768xf32, #tpu.memory_space<vmem>>, vector<16xf32>,
      %get3A_611 = vector.shape_cast %get3A_610 : vector<16xf32> to vector<16xf32>
      %mul3A_612 = arith.constant 768 : i32
      %mul3A_613 = arith.muli %scan3A_115, %mul3A_612 : i32
      %add3A_614 = arith.constant 720 : i32
      %add3A_615 = arith.addi %mul3A_613, %add3A_614 : i32
      %swap3A_616 = arith.index_cast %add3A_615 : i32 to index
      %swap3A_617 = tpu.vector_load %arg7[%swap3A_616] {strides = array<i32>} : memref<49152xf32, #tpu.memory_space<vmem>>, vector<16xf32>,
      %swap3A_618 = vector.shape_cast %swap3A_617 : vector<16xf32> to vector<16xf32>
      %swap3A_619 = vector.shape_cast %get3A_611 : vector<16xf32> to vector<16xf32>
      tpu.vector_store %arg7[%swap3A_616], %swap3A_619 {strides = array<i32>} : memref<49152xf32, #tpu.memory_space<vmem>>, vector<16xf32>,
      %get3A_620 = arith.constant 736 : index
      %get3A_621 = tpu.vector_load %arg6[%get3A_620] {strides = array<i32>} : memref<768xf32, #tpu.memory_space<vmem>>, vector<16xf32>,
      %get3A_622 = vector.shape_cast %get3A_621 : vector<16xf32> to vector<16xf32>
      %mul3A_623 = arith.constant 768 : i32
      %mul3A_624 = arith.muli %scan3A_115, %mul3A_623 : i32
      %add3A_625 = arith.constant 736 : i32
      %add3A_626 = arith.addi %mul3A_624, %add3A_625 : i32
      %swap3A_627 = arith.index_cast %add3A_626 : i32 to index
      %swap3A_628 = tpu.vector_load %arg7[%swap3A_627] {strides = array<i32>} : memref<49152xf32, #tpu.memory_space<vmem>>, vector<16xf32>,
      %swap3A_629 = vector.shape_cast %swap3A_628 : vector<16xf32> to vector<16xf32>
      %swap3A_630 = vector.shape_cast %get3A_622 : vector<16xf32> to vector<16xf32>
      tpu.vector_store %arg7[%swap3A_627], %swap3A_630 {strides = array<i32>} : memref<49152xf32, #tpu.memory_space<vmem>>, vector<16xf32>,
      %get3A_631 = arith.constant 752 : index
      %get3A_632 = tpu.vector_load %arg6[%get3A_631] {strides = array<i32>} : memref<768xf32, #tpu.memory_space<vmem>>, vector<16xf32>,
      %get3A_633 = vector.shape_cast %get3A_632 : vector<16xf32> to vector<16xf32>
      %mul3A_634 = arith.constant 768 : i32
      %mul3A_635 = arith.muli %scan3A_115, %mul3A_634 : i32
      %add3A_636 = arith.constant 752 : i32
      %add3A_637 = arith.addi %mul3A_635, %add3A_636 : i32
      %swap3A_638 = arith.index_cast %add3A_637 : i32 to index
      %swap3A_639 = tpu.vector_load %arg7[%swap3A_638] {strides = array<i32>} : memref<49152xf32, #tpu.memory_space<vmem>>, vector<16xf32>,
      %swap3A_640 = vector.shape_cast %swap3A_639 : vector<16xf32> to vector<16xf32>
      %swap3A_641 = vector.shape_cast %get3A_633 : vector<16xf32> to vector<16xf32>
      tpu.vector_store %arg7[%swap3A_638], %swap3A_641 {strides = array<i32>} : memref<49152xf32, #tpu.memory_space<vmem>>, vector<16xf32>,
    }
    %scan3A_8 = arith.constant 64 : i32
    %scan3A_9 = arith.constant 0 : i32
    %scan3A_10 = arith.constant 0 : i32
    %scan3A_11 = arith.constant 64 : i32
    %scan3A_12 = arith.addi %scan3A_10, %scan3A_11 : i32
    %scan3A_13 = arith.constant 1 : i32
    scf.for %scan3A_115 = %scan3A_10 to %scan3A_12 step %scan3A_13  : i32 {
      %mul3A_116 = arith.constant 16 : i32
      %mul3A_117 = arith.muli %scan3A_115, %mul3A_116 : i32
      %swap3A = arith.index_cast %mul3A_117 : i32 to index
      %swap3A_118 = tpu.vector_load %arg8[%swap3A] {strides = array<i32>} : memref<1024xf32, #tpu.memory_space<vmem>>, vector<16xf32>,
      %swap3A_119 = vector.shape_cast %swap3A_118 : vector<16xf32> to vector<16xf32>
      %swap3A_120 = vector.shape_cast %broadcast_in_dim3A_1 : vector<16xf32> to vector<16xf32>
      tpu.vector_store %arg8[%swap3A], %swap3A_120 {strides = array<i32>} : memref<1024xf32, #tpu.memory_space<vmem>>, vector<16xf32>,
      %mul3A_121 = arith.constant 16 : i32
      %mul3A_122 = arith.muli %scan3A_115, %mul3A_121 : i32
      %swap3A_123 = arith.index_cast %mul3A_122 : i32 to index
      %swap3A_124 = tpu.vector_load %arg9[%swap3A_123] {strides = array<i32>} : memref<1024xi32, #tpu.memory_space<vmem>>, vector<16xi32>,
      %swap3A_125 = vector.shape_cast %swap3A_124 : vector<16xi32> to vector<16xi32>
      %swap3A_126 = vector.shape_cast %broadcast_in_dim3A_3 : vector<16xi32> to vector<16xi32>
      tpu.vector_store %arg9[%swap3A_123], %swap3A_126 {strides = array<i32>} : memref<1024xi32, #tpu.memory_space<vmem>>, vector<16xi32>,
    }
    %scan3A_14 = arith.constant 64 : i32
    %mul3A_15 = arith.constant 786432 : i32
    %mul3A_16 = arith.muli %add3A, %mul3A_15 : i32
    %add3A_17 = arith.constant 0 : i32
    %add3A_18 = arith.addi %mul3A_16, %add3A_17 : i32
    %dma_start3A = tpu.memref_slice %arg3[%add3A_18] : memref<25165824xf32, #tpu.memory_space<hbm>> -> memref<49152xf32, #tpu.memory_space<hbm>>
    %dma_start3A_19 = tpu.memref_slice %arg3[%add3A_18] : memref<25165824xf32, #tpu.memory_space<hbm>> -> memref<49152xf32, #tpu.memory_space<hbm>>
    tpu.enqueue_dma source(%arg7 : memref<49152xf32, #tpu.memory_space<vmem>>) target(%dma_start3A_19 : memref<49152xf32, #tpu.memory_space<hbm>>) target_semaphore(%arg10 : memref<!tpu.dma_semaphore, #tpu.memory_space<semaphore_mem>>)
    %add3A_20 = arith.constant 49152 : i32
    %add3A_21 = arith.addi %mul3A_16, %add3A_20 : i32
    %dma_start3A_22 = tpu.memref_slice %arg3[%add3A_21] : memref<25165824xf32, #tpu.memory_space<hbm>> -> memref<49152xf32, #tpu.memory_space<hbm>>
    %dma_start3A_23 = tpu.memref_slice %arg3[%add3A_21] : memref<25165824xf32, #tpu.memory_space<hbm>> -> memref<49152xf32, #tpu.memory_space<hbm>>
    tpu.enqueue_dma source(%arg7 : memref<49152xf32, #tpu.memory_space<vmem>>) target(%dma_start3A_23 : memref<49152xf32, #tpu.memory_space<hbm>>) target_semaphore(%arg10 : memref<!tpu.dma_semaphore, #tpu.memory_space<semaphore_mem>>)
    %add3A_24 = arith.constant 98304 : i32
    %add3A_25 = arith.addi %mul3A_16, %add3A_24 : i32
    %dma_start3A_26 = tpu.memref_slice %arg3[%add3A_25] : memref<25165824xf32, #tpu.memory_space<hbm>> -> memref<49152xf32, #tpu.memory_space<hbm>>
    %dma_start3A_27 = tpu.memref_slice %arg3[%add3A_25] : memref<25165824xf32, #tpu.memory_space<hbm>> -> memref<49152xf32, #tpu.memory_space<hbm>>
    tpu.enqueue_dma source(%arg7 : memref<49152xf32, #tpu.memory_space<vmem>>) target(%dma_start3A_27 : memref<49152xf32, #tpu.memory_space<hbm>>) target_semaphore(%arg10 : memref<!tpu.dma_semaphore, #tpu.memory_space<semaphore_mem>>)
    %add3A_28 = arith.constant 147456 : i32
    %add3A_29 = arith.addi %mul3A_16, %add3A_28 : i32
    %dma_start3A_30 = tpu.memref_slice %arg3[%add3A_29] : memref<25165824xf32, #tpu.memory_space<hbm>> -> memref<49152xf32, #tpu.memory_space<hbm>>
    %dma_start3A_31 = tpu.memref_slice %arg3[%add3A_29] : memref<25165824xf32, #tpu.memory_space<hbm>> -> memref<49152xf32, #tpu.memory_space<hbm>>
    tpu.enqueue_dma source(%arg7 : memref<49152xf32, #tpu.memory_space<vmem>>) target(%dma_start3A_31 : memref<49152xf32, #tpu.memory_space<hbm>>) target_semaphore(%arg10 : memref<!tpu.dma_semaphore, #tpu.memory_space<semaphore_mem>>)
    %add3A_32 = arith.constant 196608 : i32
    %add3A_33 = arith.addi %mul3A_16, %add3A_32 : i32
    %dma_start3A_34 = tpu.memref_slice %arg3[%add3A_33] : memref<25165824xf32, #tpu.memory_space<hbm>> -> memref<49152xf32, #tpu.memory_space<hbm>>
    %dma_start3A_35 = tpu.memref_slice %arg3[%add3A_33] : memref<25165824xf32, #tpu.memory_space<hbm>> -> memref<49152xf32, #tpu.memory_space<hbm>>
    tpu.enqueue_dma source(%arg7 : memref<49152xf32, #tpu.memory_space<vmem>>) target(%dma_start3A_35 : memref<49152xf32, #tpu.memory_space<hbm>>) target_semaphore(%arg10 : memref<!tpu.dma_semaphore, #tpu.memory_space<semaphore_mem>>)
    %add3A_36 = arith.constant 245760 : i32
    %add3A_37 = arith.addi %mul3A_16, %add3A_36 : i32
    %dma_start3A_38 = tpu.memref_slice %arg3[%add3A_37] : memref<25165824xf32, #tpu.memory_space<hbm>> -> memref<49152xf32, #tpu.memory_space<hbm>>
    %dma_start3A_39 = tpu.memref_slice %arg3[%add3A_37] : memref<25165824xf32, #tpu.memory_space<hbm>> -> memref<49152xf32, #tpu.memory_space<hbm>>
    tpu.enqueue_dma source(%arg7 : memref<49152xf32, #tpu.memory_space<vmem>>) target(%dma_start3A_39 : memref<49152xf32, #tpu.memory_space<hbm>>) target_semaphore(%arg10 : memref<!tpu.dma_semaphore, #tpu.memory_space<semaphore_mem>>)
    %add3A_40 = arith.constant 294912 : i32
    %add3A_41 = arith.addi %mul3A_16, %add3A_40 : i32
    %dma_start3A_42 = tpu.memref_slice %arg3[%add3A_41] : memref<25165824xf32, #tpu.memory_space<hbm>> -> memref<49152xf32, #tpu.memory_space<hbm>>
    %dma_start3A_43 = tpu.memref_slice %arg3[%add3A_41] : memref<25165824xf32, #tpu.memory_space<hbm>> -> memref<49152xf32, #tpu.memory_space<hbm>>
    tpu.enqueue_dma source(%arg7 : memref<49152xf32, #tpu.memory_space<vmem>>) target(%dma_start3A_43 : memref<49152xf32, #tpu.memory_space<hbm>>) target_semaphore(%arg10 : memref<!tpu.dma_semaphore, #tpu.memory_space<semaphore_mem>>)
    %add3A_44 = arith.constant 344064 : i32
    %add3A_45 = arith.addi %mul3A_16, %add3A_44 : i32
    %dma_start3A_46 = tpu.memref_slice %arg3[%add3A_45] : memref<25165824xf32, #tpu.memory_space<hbm>> -> memref<49152xf32, #tpu.memory_space<hbm>>
    %dma_start3A_47 = tpu.memref_slice %arg3[%add3A_45] : memref<25165824xf32, #tpu.memory_space<hbm>> -> memref<49152xf32, #tpu.memory_space<hbm>>
    tpu.enqueue_dma source(%arg7 : memref<49152xf32, #tpu.memory_space<vmem>>) target(%dma_start3A_47 : memref<49152xf32, #tpu.memory_space<hbm>>) target_semaphore(%arg10 : memref<!tpu.dma_semaphore, #tpu.memory_space<semaphore_mem>>)
    %add3A_48 = arith.constant 393216 : i32
    %add3A_49 = arith.addi %mul3A_16, %add3A_48 : i32
    %dma_start3A_50 = tpu.memref_slice %arg3[%add3A_49] : memref<25165824xf32, #tpu.memory_space<hbm>> -> memref<49152xf32, #tpu.memory_space<hbm>>
    %dma_start3A_51 = tpu.memref_slice %arg3[%add3A_49] : memref<25165824xf32, #tpu.memory_space<hbm>> -> memref<49152xf32, #tpu.memory_space<hbm>>
    tpu.enqueue_dma source(%arg7 : memref<49152xf32, #tpu.memory_space<vmem>>) target(%dma_start3A_51 : memref<49152xf32, #tpu.memory_space<hbm>>) target_semaphore(%arg10 : memref<!tpu.dma_semaphore, #tpu.memory_space<semaphore_mem>>)
    %add3A_52 = arith.constant 442368 : i32
    %add3A_53 = arith.addi %mul3A_16, %add3A_52 : i32
    %dma_start3A_54 = tpu.memref_slice %arg3[%add3A_53] : memref<25165824xf32, #tpu.memory_space<hbm>> -> memref<49152xf32, #tpu.memory_space<hbm>>
    %dma_start3A_55 = tpu.memref_slice %arg3[%add3A_53] : memref<25165824xf32, #tpu.memory_space<hbm>> -> memref<49152xf32, #tpu.memory_space<hbm>>
    tpu.enqueue_dma source(%arg7 : memref<49152xf32, #tpu.memory_space<vmem>>) target(%dma_start3A_55 : memref<49152xf32, #tpu.memory_space<hbm>>) target_semaphore(%arg10 : memref<!tpu.dma_semaphore, #tpu.memory_space<semaphore_mem>>)
    %add3A_56 = arith.constant 491520 : i32
    %add3A_57 = arith.addi %mul3A_16, %add3A_56 : i32
    %dma_start3A_58 = tpu.memref_slice %arg3[%add3A_57] : memref<25165824xf32, #tpu.memory_space<hbm>> -> memref<49152xf32, #tpu.memory_space<hbm>>
    %dma_start3A_59 = tpu.memref_slice %arg3[%add3A_57] : memref<25165824xf32, #tpu.memory_space<hbm>> -> memref<49152xf32, #tpu.memory_space<hbm>>
    tpu.enqueue_dma source(%arg7 : memref<49152xf32, #tpu.memory_space<vmem>>) target(%dma_start3A_59 : memref<49152xf32, #tpu.memory_space<hbm>>) target_semaphore(%arg10 : memref<!tpu.dma_semaphore, #tpu.memory_space<semaphore_mem>>)
    %add3A_60 = arith.constant 540672 : i32
    %add3A_61 = arith.addi %mul3A_16, %add3A_60 : i32
    %dma_start3A_62 = tpu.memref_slice %arg3[%add3A_61] : memref<25165824xf32, #tpu.memory_space<hbm>> -> memref<49152xf32, #tpu.memory_space<hbm>>
    %dma_start3A_63 = tpu.memref_slice %arg3[%add3A_61] : memref<25165824xf32, #tpu.memory_space<hbm>> -> memref<49152xf32, #tpu.memory_space<hbm>>
    tpu.enqueue_dma source(%arg7 : memref<49152xf32, #tpu.memory_space<vmem>>) target(%dma_start3A_63 : memref<49152xf32, #tpu.memory_space<hbm>>) target_semaphore(%arg10 : memref<!tpu.dma_semaphore, #tpu.memory_space<semaphore_mem>>)
    %add3A_64 = arith.constant 589824 : i32
    %add3A_65 = arith.addi %mul3A_16, %add3A_64 : i32
    %dma_start3A_66 = tpu.memref_slice %arg3[%add3A_65] : memref<25165824xf32, #tpu.memory_space<hbm>> -> memref<49152xf32, #tpu.memory_space<hbm>>
    %dma_start3A_67 = tpu.memref_slice %arg3[%add3A_65] : memref<25165824xf32, #tpu.memory_space<hbm>> -> memref<49152xf32, #tpu.memory_space<hbm>>
    tpu.enqueue_dma source(%arg7 : memref<49152xf32, #tpu.memory_space<vmem>>) target(%dma_start3A_67 : memref<49152xf32, #tpu.memory_space<hbm>>) target_semaphore(%arg10 : memref<!tpu.dma_semaphore, #tpu.memory_space<semaphore_mem>>)
    %add3A_68 = arith.constant 638976 : i32
    %add3A_69 = arith.addi %mul3A_16, %add3A_68 : i32
    %dma_start3A_70 = tpu.memref_slice %arg3[%add3A_69] : memref<25165824xf32, #tpu.memory_space<hbm>> -> memref<49152xf32, #tpu.memory_space<hbm>>
    %dma_start3A_71 = tpu.memref_slice %arg3[%add3A_69] : memref<25165824xf32, #tpu.memory_space<hbm>> -> memref<49152xf32, #tpu.memory_space<hbm>>
    tpu.enqueue_dma source(%arg7 : memref<49152xf32, #tpu.memory_space<vmem>>) target(%dma_start3A_71 : memref<49152xf32, #tpu.memory_space<hbm>>) target_semaphore(%arg10 : memref<!tpu.dma_semaphore, #tpu.memory_space<semaphore_mem>>)
    %add3A_72 = arith.constant 688128 : i32
    %add3A_73 = arith.addi %mul3A_16, %add3A_72 : i32
    %dma_start3A_74 = tpu.memref_slice %arg3[%add3A_73] : memref<25165824xf32, #tpu.memory_space<hbm>> -> memref<49152xf32, #tpu.memory_space<hbm>>
    %dma_start3A_75 = tpu.memref_slice %arg3[%add3A_73] : memref<25165824xf32, #tpu.memory_space<hbm>> -> memref<49152xf32, #tpu.memory_space<hbm>>
    tpu.enqueue_dma source(%arg7 : memref<49152xf32, #tpu.memory_space<vmem>>) target(%dma_start3A_75 : memref<49152xf32, #tpu.memory_space<hbm>>) target_semaphore(%arg10 : memref<!tpu.dma_semaphore, #tpu.memory_space<semaphore_mem>>)
    %add3A_76 = arith.constant 737280 : i32
    %add3A_77 = arith.addi %mul3A_16, %add3A_76 : i32
    %dma_start3A_78 = tpu.memref_slice %arg3[%add3A_77] : memref<25165824xf32, #tpu.memory_space<hbm>> -> memref<49152xf32, #tpu.memory_space<hbm>>
    %dma_start3A_79 = tpu.memref_slice %arg3[%add3A_77] : memref<25165824xf32, #tpu.memory_space<hbm>> -> memref<49152xf32, #tpu.memory_space<hbm>>
    tpu.enqueue_dma source(%arg7 : memref<49152xf32, #tpu.memory_space<vmem>>) target(%dma_start3A_79 : memref<49152xf32, #tpu.memory_space<hbm>>) target_semaphore(%arg10 : memref<!tpu.dma_semaphore, #tpu.memory_space<semaphore_mem>>)
    %mul3A_80 = arith.constant 1024 : i32
    %mul3A_81 = arith.muli %add3A, %mul3A_80 : i32
    "tpu.region"() ({
      %run_scoped3A = tpu.sem_alloc : memref<!tpu.dma_semaphore, #tpu.memory_space<semaphore_mem>>
      %dma_start3A_115 = tpu.memref_slice %arg4[%mul3A_81] : memref<32768xf32, #tpu.memory_space<hbm>> -> memref<1024xf32, #tpu.memory_space<hbm>>
      %dma_start3A_116 = tpu.memref_slice %arg4[%mul3A_81] : memref<32768xf32, #tpu.memory_space<hbm>> -> memref<1024xf32, #tpu.memory_space<hbm>>
      tpu.enqueue_dma source(%arg8 : memref<1024xf32, #tpu.memory_space<vmem>>) target(%dma_start3A_116 : memref<1024xf32, #tpu.memory_space<hbm>>) target_semaphore(%run_scoped3A : memref<!tpu.dma_semaphore, #tpu.memory_space<semaphore_mem>>)
      %dma_wait3A_117 = tpu.memref_slice %arg4[%mul3A_81] : memref<32768xf32, #tpu.memory_space<hbm>> -> memref<1024xf32, #tpu.memory_space<hbm>>
      %dma_wait3A_118 = tpu.memref_slice %arg4[%mul3A_81] : memref<32768xf32, #tpu.memory_space<hbm>> -> memref<1024xf32, #tpu.memory_space<hbm>>
      tpu.wait_dma2 semaphore(%run_scoped3A : memref<!tpu.dma_semaphore, #tpu.memory_space<semaphore_mem>>) src(%arg8 : memref<1024xf32, #tpu.memory_space<vmem>>) dst(%dma_wait3A_118 : memref<1024xf32, #tpu.memory_space<hbm>>)
      tpu.yield
    }) : () -> ()
    %mul3A_82 = arith.constant 1024 : i32
    %mul3A_83 = arith.muli %add3A, %mul3A_82 : i32
    "tpu.region"() ({
      %run_scoped3A = tpu.sem_alloc : memref<!tpu.dma_semaphore, #tpu.memory_space<semaphore_mem>>
      %dma_start3A_115 = tpu.memref_slice %arg5[%mul3A_83] : memref<32768xi32, #tpu.memory_space<hbm>> -> memref<1024xi32, #tpu.memory_space<hbm>>
      %dma_start3A_116 = tpu.memref_slice %arg5[%mul3A_83] : memref<32768xi32, #tpu.memory_space<hbm>> -> memref<1024xi32, #tpu.memory_space<hbm>>
      tpu.enqueue_dma source(%arg9 : memref<1024xi32, #tpu.memory_space<vmem>>) target(%dma_start3A_116 : memref<1024xi32, #tpu.memory_space<hbm>>) target_semaphore(%run_scoped3A : memref<!tpu.dma_semaphore, #tpu.memory_space<semaphore_mem>>)
      %dma_wait3A_117 = tpu.memref_slice %arg5[%mul3A_83] : memref<32768xi32, #tpu.memory_space<hbm>> -> memref<1024xi32, #tpu.memory_space<hbm>>
      %dma_wait3A_118 = tpu.memref_slice %arg5[%mul3A_83] : memref<32768xi32, #tpu.memory_space<hbm>> -> memref<1024xi32, #tpu.memory_space<hbm>>
      tpu.wait_dma2 semaphore(%run_scoped3A : memref<!tpu.dma_semaphore, #tpu.memory_space<semaphore_mem>>) src(%arg9 : memref<1024xi32, #tpu.memory_space<vmem>>) dst(%dma_wait3A_118 : memref<1024xi32, #tpu.memory_space<hbm>>)
      tpu.yield
    }) : () -> ()
    %dma_wait3A = tpu.memref_slice %arg3[%add3A_18] : memref<25165824xf32, #tpu.memory_space<hbm>> -> memref<49152xf32, #tpu.memory_space<hbm>>
    %dma_wait3A_84 = tpu.memref_slice %arg3[%add3A_18] : memref<25165824xf32, #tpu.memory_space<hbm>> -> memref<49152xf32, #tpu.memory_space<hbm>>
    tpu.wait_dma2 semaphore(%arg10 : memref<!tpu.dma_semaphore, #tpu.memory_space<semaphore_mem>>) src(%arg7 : memref<49152xf32, #tpu.memory_space<vmem>>) dst(%dma_wait3A_84 : memref<49152xf32, #tpu.memory_space<hbm>>)
    %dma_wait3A_85 = tpu.memref_slice %arg3[%add3A_21] : memref<25165824xf32, #tpu.memory_space<hbm>> -> memref<49152xf32, #tpu.memory_space<hbm>>
    %dma_wait3A_86 = tpu.memref_slice %arg3[%add3A_21] : memref<25165824xf32, #tpu.memory_space<hbm>> -> memref<49152xf32, #tpu.memory_space<hbm>>
    tpu.wait_dma2 semaphore(%arg10 : memref<!tpu.dma_semaphore, #tpu.memory_space<semaphore_mem>>) src(%arg7 : memref<49152xf32, #tpu.memory_space<vmem>>) dst(%dma_wait3A_86 : memref<49152xf32, #tpu.memory_space<hbm>>)
    %dma_wait3A_87 = tpu.memref_slice %arg3[%add3A_25] : memref<25165824xf32, #tpu.memory_space<hbm>> -> memref<49152xf32, #tpu.memory_space<hbm>>
    %dma_wait3A_88 = tpu.memref_slice %arg3[%add3A_25] : memref<25165824xf32, #tpu.memory_space<hbm>> -> memref<49152xf32, #tpu.memory_space<hbm>>
    tpu.wait_dma2 semaphore(%arg10 : memref<!tpu.dma_semaphore, #tpu.memory_space<semaphore_mem>>) src(%arg7 : memref<49152xf32, #tpu.memory_space<vmem>>) dst(%dma_wait3A_88 : memref<49152xf32, #tpu.memory_space<hbm>>)
    %dma_wait3A_89 = tpu.memref_slice %arg3[%add3A_29] : memref<25165824xf32, #tpu.memory_space<hbm>> -> memref<49152xf32, #tpu.memory_space<hbm>>
    %dma_wait3A_90 = tpu.memref_slice %arg3[%add3A_29] : memref<25165824xf32, #tpu.memory_space<hbm>> -> memref<49152xf32, #tpu.memory_space<hbm>>
    tpu.wait_dma2 semaphore(%arg10 : memref<!tpu.dma_semaphore, #tpu.memory_space<semaphore_mem>>) src(%arg7 : memref<49152xf32, #tpu.memory_space<vmem>>) dst(%dma_wait3A_90 : memref<49152xf32, #tpu.memory_space<hbm>>)
    %dma_wait3A_91 = tpu.memref_slice %arg3[%add3A_33] : memref<25165824xf32, #tpu.memory_space<hbm>> -> memref<49152xf32, #tpu.memory_space<hbm>>
    %dma_wait3A_92 = tpu.memref_slice %arg3[%add3A_33] : memref<25165824xf32, #tpu.memory_space<hbm>> -> memref<49152xf32, #tpu.memory_space<hbm>>
    tpu.wait_dma2 semaphore(%arg10 : memref<!tpu.dma_semaphore, #tpu.memory_space<semaphore_mem>>) src(%arg7 : memref<49152xf32, #tpu.memory_space<vmem>>) dst(%dma_wait3A_92 : memref<49152xf32, #tpu.memory_space<hbm>>)
    %dma_wait3A_93 = tpu.memref_slice %arg3[%add3A_37] : memref<25165824xf32, #tpu.memory_space<hbm>> -> memref<49152xf32, #tpu.memory_space<hbm>>
    %dma_wait3A_94 = tpu.memref_slice %arg3[%add3A_37] : memref<25165824xf32, #tpu.memory_space<hbm>> -> memref<49152xf32, #tpu.memory_space<hbm>>
    tpu.wait_dma2 semaphore(%arg10 : memref<!tpu.dma_semaphore, #tpu.memory_space<semaphore_mem>>) src(%arg7 : memref<49152xf32, #tpu.memory_space<vmem>>) dst(%dma_wait3A_94 : memref<49152xf32, #tpu.memory_space<hbm>>)
    %dma_wait3A_95 = tpu.memref_slice %arg3[%add3A_41] : memref<25165824xf32, #tpu.memory_space<hbm>> -> memref<49152xf32, #tpu.memory_space<hbm>>
    %dma_wait3A_96 = tpu.memref_slice %arg3[%add3A_41] : memref<25165824xf32, #tpu.memory_space<hbm>> -> memref<49152xf32, #tpu.memory_space<hbm>>
    tpu.wait_dma2 semaphore(%arg10 : memref<!tpu.dma_semaphore, #tpu.memory_space<semaphore_mem>>) src(%arg7 : memref<49152xf32, #tpu.memory_space<vmem>>) dst(%dma_wait3A_96 : memref<49152xf32, #tpu.memory_space<hbm>>)
    %dma_wait3A_97 = tpu.memref_slice %arg3[%add3A_45] : memref<25165824xf32, #tpu.memory_space<hbm>> -> memref<49152xf32, #tpu.memory_space<hbm>>
    %dma_wait3A_98 = tpu.memref_slice %arg3[%add3A_45] : memref<25165824xf32, #tpu.memory_space<hbm>> -> memref<49152xf32, #tpu.memory_space<hbm>>
    tpu.wait_dma2 semaphore(%arg10 : memref<!tpu.dma_semaphore, #tpu.memory_space<semaphore_mem>>) src(%arg7 : memref<49152xf32, #tpu.memory_space<vmem>>) dst(%dma_wait3A_98 : memref<49152xf32, #tpu.memory_space<hbm>>)
    %dma_wait3A_99 = tpu.memref_slice %arg3[%add3A_49] : memref<25165824xf32, #tpu.memory_space<hbm>> -> memref<49152xf32, #tpu.memory_space<hbm>>
    %dma_wait3A_100 = tpu.memref_slice %arg3[%add3A_49] : memref<25165824xf32, #tpu.memory_space<hbm>> -> memref<49152xf32, #tpu.memory_space<hbm>>
    tpu.wait_dma2 semaphore(%arg10 : memref<!tpu.dma_semaphore, #tpu.memory_space<semaphore_mem>>) src(%arg7 : memref<49152xf32, #tpu.memory_space<vmem>>) dst(%dma_wait3A_100 : memref<49152xf32, #tpu.memory_space<hbm>>)
    %dma_wait3A_101 = tpu.memref_slice %arg3[%add3A_53] : memref<25165824xf32, #tpu.memory_space<hbm>> -> memref<49152xf32, #tpu.memory_space<hbm>>
    %dma_wait3A_102 = tpu.memref_slice %arg3[%add3A_53] : memref<25165824xf32, #tpu.memory_space<hbm>> -> memref<49152xf32, #tpu.memory_space<hbm>>
    tpu.wait_dma2 semaphore(%arg10 : memref<!tpu.dma_semaphore, #tpu.memory_space<semaphore_mem>>) src(%arg7 : memref<49152xf32, #tpu.memory_space<vmem>>) dst(%dma_wait3A_102 : memref<49152xf32, #tpu.memory_space<hbm>>)
    %dma_wait3A_103 = tpu.memref_slice %arg3[%add3A_57] : memref<25165824xf32, #tpu.memory_space<hbm>> -> memref<49152xf32, #tpu.memory_space<hbm>>
    %dma_wait3A_104 = tpu.memref_slice %arg3[%add3A_57] : memref<25165824xf32, #tpu.memory_space<hbm>> -> memref<49152xf32, #tpu.memory_space<hbm>>
    tpu.wait_dma2 semaphore(%arg10 : memref<!tpu.dma_semaphore, #tpu.memory_space<semaphore_mem>>) src(%arg7 : memref<49152xf32, #tpu.memory_space<vmem>>) dst(%dma_wait3A_104 : memref<49152xf32, #tpu.memory_space<hbm>>)
    %dma_wait3A_105 = tpu.memref_slice %arg3[%add3A_61] : memref<25165824xf32, #tpu.memory_space<hbm>> -> memref<49152xf32, #tpu.memory_space<hbm>>
    %dma_wait3A_106 = tpu.memref_slice %arg3[%add3A_61] : memref<25165824xf32, #tpu.memory_space<hbm>> -> memref<49152xf32, #tpu.memory_space<hbm>>
    tpu.wait_dma2 semaphore(%arg10 : memref<!tpu.dma_semaphore, #tpu.memory_space<semaphore_mem>>) src(%arg7 : memref<49152xf32, #tpu.memory_space<vmem>>) dst(%dma_wait3A_106 : memref<49152xf32, #tpu.memory_space<hbm>>)
    %dma_wait3A_107 = tpu.memref_slice %arg3[%add3A_65] : memref<25165824xf32, #tpu.memory_space<hbm>> -> memref<49152xf32, #tpu.memory_space<hbm>>
    %dma_wait3A_108 = tpu.memref_slice %arg3[%add3A_65] : memref<25165824xf32, #tpu.memory_space<hbm>> -> memref<49152xf32, #tpu.memory_space<hbm>>
    tpu.wait_dma2 semaphore(%arg10 : memref<!tpu.dma_semaphore, #tpu.memory_space<semaphore_mem>>) src(%arg7 : memref<49152xf32, #tpu.memory_space<vmem>>) dst(%dma_wait3A_108 : memref<49152xf32, #tpu.memory_space<hbm>>)
    %dma_wait3A_109 = tpu.memref_slice %arg3[%add3A_69] : memref<25165824xf32, #tpu.memory_space<hbm>> -> memref<49152xf32, #tpu.memory_space<hbm>>
    %dma_wait3A_110 = tpu.memref_slice %arg3[%add3A_69] : memref<25165824xf32, #tpu.memory_space<hbm>> -> memref<49152xf32, #tpu.memory_space<hbm>>
    tpu.wait_dma2 semaphore(%arg10 : memref<!tpu.dma_semaphore, #tpu.memory_space<semaphore_mem>>) src(%arg7 : memref<49152xf32, #tpu.memory_space<vmem>>) dst(%dma_wait3A_110 : memref<49152xf32, #tpu.memory_space<hbm>>)
    %dma_wait3A_111 = tpu.memref_slice %arg3[%add3A_73] : memref<25165824xf32, #tpu.memory_space<hbm>> -> memref<49152xf32, #tpu.memory_space<hbm>>
    %dma_wait3A_112 = tpu.memref_slice %arg3[%add3A_73] : memref<25165824xf32, #tpu.memory_space<hbm>> -> memref<49152xf32, #tpu.memory_space<hbm>>
    tpu.wait_dma2 semaphore(%arg10 : memref<!tpu.dma_semaphore, #tpu.memory_space<semaphore_mem>>) src(%arg7 : memref<49152xf32, #tpu.memory_space<vmem>>) dst(%dma_wait3A_112 : memref<49152xf32, #tpu.memory_space<hbm>>)
    %dma_wait3A_113 = tpu.memref_slice %arg3[%add3A_77] : memref<25165824xf32, #tpu.memory_space<hbm>> -> memref<49152xf32, #tpu.memory_space<hbm>>
    %dma_wait3A_114 = tpu.memref_slice %arg3[%add3A_77] : memref<25165824xf32, #tpu.memory_space<hbm>> -> memref<49152xf32, #tpu.memory_space<hbm>>
    tpu.wait_dma2 semaphore(%arg10 : memref<!tpu.dma_semaphore, #tpu.memory_space<semaphore_mem>>) src(%arg7 : memref<49152xf32, #tpu.memory_space<vmem>>) dst(%dma_wait3A_114 : memref<49152xf32, #tpu.memory_space<hbm>>)
    return
  }
}

</mosaic_0001>

<sc_bundles>
// kernel: kernel.3.cloned.1.call-start
scs
__scs_entry_jumppad:
0x0: {  	(pc) =	sbr.rel $0x88, $3  }
0x1: {  	(tag) =	ssettag $0x0;
	lr =	simm.s32 $0x1  }
0x2: {  	[smem:$0x3FA0] =	sst lr;
	_ =	strace $0xD0000000  }
0x3: {  	_ = 	snop  }
0x4: {  	_ = 	snop  }
0x5: {  	_ = 	snop  }
0x6: {  	_ = 	snop  }
0x7: {  	_ = 	snop  }
__scs_overlays_trampoline_lowered:
0x8: {  	[smem:$0x3FAF] =	sst s0  }
0x9: {  	[smem:$0x3FB0] =	sst s1  }
0xa: {  	[smem:$0x3FB1] =	sst s2  }
0xb: {  	[smem:$0x3FB2] =	sst s3  }
0xc: {  	[smem:$0x3FB3] =	sst s4  }
0xd: {  	[smem:$0x3FB4] =	sst s5  }
0xe: {  	[smem:$0x3FB5] =	sst s6  }
0xf: {  	[smem:$0x3FB6] =	sst s7  }
0x10: {  	[smem:$0x3FB7] =	sst s8  }
0x11: {  	[smem:$0x3FB8] =	sst s9;
	s0 =	simm.s32 @!p0 $0x0  }
0x12: {  	s1 =	sld [smem:$0x3F9E];
	s0 =	simm.s32 @p0 $0x1  }
0x13: {  	[smem:$0x3FB9] =	sst s0;
	s0 =	simm.s32 @!p1 $0x0  }
0x14: {  	s2 =	sld [smem:$0x3F9D];
	s0 =	simm.s32 @p1 $0x1  }
0x15: {  	[smem:$0x3FBA] =	sst s0;
	s0 =	simm.s32 @!p2 $0x0  }
0x16: {  	s3 =	sld [smem:$0x3FDB];
	s0 =	simm.s32 @p2 $0x1  }
0x17: {  	s4 =	simm.s32 $0x1BF5;
	[smem:$0x3FBC] =	sst s0  }
0x18: {  	s0 =	sld [smem:$0x3F9F];
	_ =	swait.ge [sflag:s4], $0x0  }
0x19: {  	s7 =	sld [smem:$0x3FA0]  }
0x1a: {  	s8 =	sadd.s32 $0xFFFFE003, lr  }
0x1b: {  	s9 =	sadd.s32 $0xFFFFFEF7, lr;
	s5 =	simm.s32 $0xFFFFFFFF;
	p2 =	slt.u32 s8, $0xFFFFF086  }
0x1c: {  	p1 =	slt.u32 s9, $0xF7A;
	s5 =	simm.s32 @!p2 $0x0  }
0x1d: {  	s5 =	simm.s32 @p1 $0x1;
	p0 =	seq.s32 s7, s2  }
0x1e: {  	s7 =	smul.u32 @!p0 $0xF7A, s2;
	p2 =	seq.s32 @!p0 s5, $0x0  }
0x1f: {  	s9 =	smul.u32 $0xF7A, s1;
	s8 =	simm.s32 @!p0 $0x1BF5;
	p2 =	por !p2, p0  }
0x20: {  	[sflag:s8] =	ssyncset.s32 @!p0 $0xFFFFF086;
	s6 =	sadd.s32 @!p0 s3, s7;
	s7 =	simm.s32 @!p0 $0x108  }
0x21: {  	s3 =	sadd.s32 s3, s9;
	s6 =	sadd.s32 @!p0 $0x88, s6;
	s7 =	simm.s32 @p2 $0x1082  }
0x22: {  	[simem:s7], [sflag:s8] =	dma.local @!p0 [hbm:s6], $0xF7A  }
0x23: {  	s9 =	sor.u32 $0xD0000000, s2;
	s6 =	simm.s32 $0x108;
	_ =	swait.ge @!p0 [sflag:s8], $0x0  }
0x24: {  	s3 =	sadd.s32 $0x88, s3;
	s6 =	simm.s32 @!p1 $0x1082;
	[sflag:s4] =	ssyncset.s32 $0xFFFFF086  }
0x25: {  	[simem:s6], [sflag:s4] =	dma.local [hbm:s3], $0xF7A  }
0x26: {  	[smem:$0x3FA0] =	sst s1;
	(tag) =	ssettag s2;
	_ =	strace s9  }
0x27: {  	s1 =	sld [smem:$0x3FB0]  }
0x28: {  	s2 =	sld [smem:$0x3FB1]  }
0x29: {  	s4 =	sld [smem:$0x3FB3]  }
0x2a: {  	p0 =	seq.s32 s5, $0x0;
	s5 =	sld [smem:$0x3FB4]  }
0x2b: {  	s6 =	sld [smem:$0x3FB5]  }
0x2c: {  	s7 =	sld [smem:$0x3FB6]  }
0x2d: {  	s3 =	simm.s32 $0x108;
	s8 =	sld [smem:$0x3FB7]  }
0x2e: {  	s3 =	simm.s32 @!p0 $0x1082;
	s9 =	sld [smem:$0x3FB8]  }
0x2f: {  	lr =	sadd.s32 s0, s3;
	s0 =	sld [smem:$0x3FAF]  }
0x30: {  	s3 =	sld [smem:$0x3FB2]  }
0x31: {  	[smem:$0x3FBB] =	sst s10  }
0x32: {  	s10 =	sld [smem:$0x3FB9];
	_ =	sdelay $0x3  }
0x33: {  	p0 =	seq.s32 s10, $0x1;
	s10 =	sld [smem:$0x3FBB];
	_ =	sdelay $0x3  }
0x34: {  	[smem:$0x3FBB] =	sst s10  }
0x35: {  	s10 =	sld [smem:$0x3FBA];
	_ =	sdelay $0x3  }
0x36: {  	p1 =	seq.s32 s10, $0x1;
	s10 =	sld [smem:$0x3FBB];
	_ =	sdelay $0x3  }
0x37: {  	[smem:$0x3FBB] =	sst s10  }
0x38: {  	s10 =	sld [smem:$0x3FBC]  }
0x39: {  	_ = 	snop;
	(pc) =	sbr.ind lr, $3  }
0x3a: {  	_ = 	snop  }
0x3b: {  	_ = 	snop  }
0x3c: {  	p2 =	seq.s32 s10, $0x1;
	s10 =	sld [smem:$0x3FBB]  }
0x3d: {  	_ =	shalt  }
0x3e: {  	_ =	shalt  }
0x3f: {  	_ =	shalt  }
0x40: {  	_ =	shalt  }
0x41: {  	_ =	shalt  }
0x42: {  	_ =	shalt  }
0x43: {  	_ =	shalt  }
0x44: {  	_ =	shalt  }
0x45: {  	_ =	shalt  }
0x46: {  	_ =	shalt  }
0x47: {  	_ =	shalt  }
0x48: {  	_ =	shalt  }
0x49: {  	_ =	shalt  }
0x4a: {  	_ =	shalt  }
0x4b: {  	_ =	shalt  }
0x4c: {  	_ =	shalt  }
0x4d: {  	_ =	shalt  }
0x4e: {  	_ =	shalt  }
0x4f: {  	_ =	shalt  }
0x50: {  	_ =	shalt  }
0x51: {  	_ =	shalt  }
0x52: {  	_ =	shalt  }
0x53: {  	_ =	shalt  }
0x54: {  	_ =	shalt  }
0x55: {  	_ =	shalt  }
0x56: {  	_ =	shalt  }
0x57: {  	_ =	shalt  }
0x58: {  	_ =	shalt  }
0x59: {  	_ =	shalt  }
0x5a: {  	_ =	shalt  }
0x5b: {  	_ =	shalt  }
0x5c: {  	_ =	shalt  }
0x5d: {  	_ =	shalt  }
0x5e: {  	_ =	shalt  }
0x5f: {  	_ =	shalt  }
0x60: {  	_ =	shalt  }
0x61: {  	_ =	shalt  }
0x62: {  	_ =	shalt  }
0x63: {  	_ =	shalt  }
0x64: {  	_ =	shalt  }
0x65: {  	_ =	shalt  }
0x66: {  	_ =	shalt  }
0x67: {  	_ =	shalt  }
0x68: {  	_ =	shalt  }
0x69: {  	_ =	shalt  }
0x6a: {  	_ =	shalt  }
0x6b: {  	_ =	shalt  }
0x6c: {  	_ =	shalt  }
0x6d: {  	_ =	shalt  }
0x6e: {  	_ =	shalt  }
0x6f: {  	_ =	shalt  }
0x70: {  	_ =	shalt  }
0x71: {  	_ =	shalt  }
0x72: {  	_ =	shalt  }
0x73: {  	_ =	shalt  }
0x74: {  	_ =	shalt  }
0x75: {  	_ =	shalt  }
0x76: {  	_ =	shalt  }
0x77: {  	_ =	shalt  }
0x78: {  	_ =	shalt  }
0x79: {  	_ =	shalt  }
0x7a: {  	_ =	shalt  }
0x7b: {  	_ =	shalt  }
0x7c: {  	_ =	shalt  }
0x7d: {  	_ =	shalt  }
0x7e: {  	_ =	shalt  }
0x7f: {  	_ =	shalt  }
0x80: {  	_ =	shalt  }
0x81: {  	_ =	shalt  }
0x82: {  	_ =	shalt  }
0x83: {  	_ =	shalt  }
0x84: {  	_ =	shalt  }
0x85: {  	_ =	shalt  }
0x86: {  	_ =	shalt  }
0x87: {  	_ =	shalt  }
.Lfunc_end0:
.L_simem_size_0:
called_computation_lowered:
.L_overlay_start_0:
0x88: {  	s2 =	sld [smem:$0x3FD9]  }
0x89: {  	s3 =	sld [smem:$0x3FFE];
	_ =	sdelay $0x1  }
0x8a: {  	s1 =	srdreg.scid  }
0x8b: {  	s0 =	sand.u32 $0x1, s1  }
0x8c: {  	s14 =	sshll.u32 s0, $0xA;
	s2 =	sadd.s32 s3, s2  }
0x8d: {  	s2 =	sadd.s32 s2, s14  }
0x8e: {  	[smem:$0x3FC7] =	sst s2  }
0x8f: {  	_ = 	snop  }
0x90: {  	s2 =	sld [smem:$0x3FD0];
	_ =	sdelay $0x2  }
0x91: {  	s15 =	simm.s32 $0xA;
	s4 =	simm.s32 $0x10  }
0x92: {  	[smem:s4], [sflag:s15] =	dma.local [hbm:s2], $0x1  }
0x93: {  	_ =	swait.eq [sflag:s15], $0x1  }
0x94: {  	s16 =	sld [smem:$0x10];
	[sflag:s15] =	ssyncset.done $0x0  }
0x95: {  	s17 =	sld [smem:$0x11];
	[sflag:s15] =	ssyncadd.s32 $0xFFFFFFFF  }
0x96: {  	s18 =	sld [smem:$0x12];
	(tm) =	ssettm $0x1  }
0x97: {  	s5 =	sld [smem:$0x3FFB];
	_ =	sdelay $0x3  }
0x98: {  	_ =	strace s5  }
0x99: {  	s5 =	sld [smem:$0x3FFC];
	_ =	sdelay $0x3  }
0x9a: {  	_ =	strace s5  }
0x9b: {  	s5 =	sld [smem:$0x3FFD];
	_ =	sdelay $0x3  }
0x9c: {  	_ =	strace s5  }
0x9d: {  	_ =	strace $0x8FFFFFFF  }
0x9e: {  	s19 =	sld [smem:$0x3FDB];
	_ =	sdelay $0x1  }
0x9f: {  	s6 =	simm.s32 $_scs_section_size  }
0xa0: {  	s7 =	simm.s32 $_size__tile_overlayer_lowered;
	s8 =	simm.s32 $_tile_overlayer_lowered  }
0xa1: {  	s22 =	simm.s32 $0x1BFF;
	s21 =	sshll.u32 s8, $0x1;
	s5 =	sadd.s32 s6, s19  }
0xa2: {  	s9 =	simm.s32 $0x0;
	s20 =	sshll.u32 s7, $0x1;
	s7 =	sadd.s32 s21, s5  }
0xa3: {  	[timem:s9], [sflag:s22] =	dma.local [hbm:s7], s20  }
0xa4: {  	_ =	swait.ge [sflag:s22], s20  }
0xa5: {  	s6 =	ssub.s32 $0x0, s20;
	[sflag:s22] =	ssyncset.done $0x0  }
0xa6: {  	[sflag:s22] =	ssyncadd.s32 s6;
	_ =	sdelay $0x1  }
0xa7: {  	s23 =	simm.s32 $0x1B8B  }
0xa8: {  	_ =	swait.ge [sflag:s23], $0x1  }
0xa9: {  	[sflag:s23] =	ssyncset.done $0x0  }
0xaa: {  	s25 =	simm.s32 $0x1B8E;
	s24 =	sld [smem:$0x3FFE];
	[sflag:s23] =	ssyncadd.s32 $0xFFFFFFFF  }
0xab: {  	s26 =	simm.s32 $execute0_lowered;
	[smem:$0x3FD2] =	sst s25  }
0xac: {  	s7 =	sshll.u32 s26, $0x1;
	_ =	strace $0x80000046;
	[dreg:$0x1] =	wrdreg $0xFFFFFFFF  }
0xad: {  	s28 =	simm.s32 $_size_execute0_lowered;
	s5 =	sadd.s32 s5, s7;
	[dreg:$0x0] =	wrdreg $0x0  }
0xae: {  	s7 =	sshll.u32 s28, $0x1;
	[dreg:$0x2] =	wrdreg s5  }
0xaf: {  	[dreg:$0x3] =	wrdreg s7  }
0xb0: {  	[dreg:$0x4] =	wrdreg $0xC0  }
0xb1: {  	_ =	task [dreg:s9], $0x5FFFF  }
0xb2: {  	[dreg:$0x1] =	wrdreg $0xFFFFFFFF  }
0xb3: {  	[dreg:$0x0] =	wrdreg $0x60  }
0xb4: {  	[dreg:$0x2] =	wrdreg s24  }
0xb5: {  	[dreg:$0x3] =	wrdreg s16  }
0xb6: {  	[dreg:$0x4] =	wrdreg s17  }
0xb7: {  	[dreg:$0x5] =	wrdreg s18  }
0xb8: {  	[dreg:$0x6] =	wrdreg $0x9  }
0xb9: {  	_ =	task.clear_ibuf [dreg:s9], $0x7FFFF;
	_ =	strace $0x90000046  }
0xba: {  	s29 =	simm.s32 $0x9;
	_ =	strace $0x80000048  }
0xbb: {  	_ =	swait.ge [sflag:s29], $0x1  }
0xbc: {  	[sflag:s29] =	ssyncadd.s32 $0xFFFFFFFF  }
0xbd: {  	_ =	strace $0x90000048  }
0xbe: {  	_ =	sfence  }
0xbf: {  	s30 =	sld [smem:$0x0];
	_ =	sdelay $0x2  }
0xc0: {  	s31 =	sshll.u32 s1, $0xD;
	s1 =	sshrl.u32 s1, $0x2  }
0xc1: {  	s3 =	sand.u32 $0x4000, s31;
	s1 =	sadd.s32 s1, s30  }
0xc2: {  	s0 =	sor.u32 s3, s0;
	s1 =	sshll.u32 s1, $0x11  }
0xc3: {  	s0 =	sor.u32 s1, s0  }
0xc4: {  	s0 =	sadd.s32 $0x8F2B, s0  }
0xc5: {  	[sflag:s0] =	ssyncadd.remote.s32 $0x1  }
0xc6: {  	_ =	sfence.sel $0xFFFF  }
0xc7: {  	[dreg:$0x0] =	wrdreg $0xFFFFFFFF;
	(pc) =	sbr.abs _section_cstart, $3  }
0xc8: {  	[dreg:$0x1] =	wrdreg $0xFFFFFFFF  }
0xc9: {  	_ =	task.clear_ibuf [dreg:s9], $0x2FFFF;
	_ =	strace $0x9FFFFFFF  }
0xca: {  	(tm) =	ssettm $0x7FFFFFFF  }
0xcb: {  	_ =	shalt  }
tec
execute0_lowered:
.L_overlay_start_1:
0x0: {  	(tag) =	ssettag $0x1  }
0x1: {  	s1 =	rddreg [dreg:$0x0]  }
0x2: {  	s2 =	srdreg.scid;
	s3 =	rddreg [dreg:$0x1]  }
0x3: {  	s0 =	stileid.u32;
	s20 =	rddreg [dreg:$0x2]  }
0x4: {  	s22 =	rddreg [dreg:$0x3];
	s23 =	simm.s32 $0x2;
	s24 =	simm.s32 $0x300  }
0x5: {  	s28 =	simm.s32 $0x1;
	s4 =	sand.u32 $0x1, s2;
	s25 =	sshll.u32 s0, $0x1  }
0x6: {  	s29 =	simm.s32 $0x0;
	s2 =	simm.s32 $0x0;
	s21 =	sor.u32 s4, s25  }
0x7: {  	[smem:$0x7FF] =	sst s2;
	s6 =	ssub.s32 $0x2, s4;
	s4 =	sadd.s32 $0x400, s1  }
0x8: {  	s25 =	simm.s32 $0xC300;
	s5 =	smul.u32 $0xC0000, s21;
	s30 =	sshrl.u32 s6, $0x1  }
0x9: {  	_ =	strace $0x80000047;
	s21 =	sshll.u32 s21, $0x7;
	s31 =	ssub.s32 s6, s30  }
0xa: {  	s20 =	sadd.s32 s20, s21;
	s21 =	sadd.s32 s22, s21;
	s26 =	sshrl.u32 s5, $0x3  }
0xb: {  	s22 =	smax.u32 s31, $0x1;
	s3 =	sadd.s32 s3, s26;
	s26 =	simm.s32 $0xC700  }
0xc: {  	s5 =	sadd.s32 $0x1800, s3;
	s6 =	sadd.s32 $0x3000, s3;
	s7 =	sadd.s32 $0x4800, s3  }
0xd: {  	s8 =	sadd.s32 $0x6000, s3;
	s9 =	sadd.s32 $0x7800, s3;
	s10 =	sadd.s32 $0x9000, s3  }
0xe: {  	s11 =	sadd.s32 $0xA800, s3;
	s12 =	sadd.s32 $0xC000, s3;
	s13 =	sadd.s32 $0xD800, s3  }
0xf: {  	s14 =	sadd.s32 $0xF000, s3;
	s15 =	sadd.s32 $0x10800, s3;
	s16 =	sadd.s32 $0x12000, s3  }
0x10: {  	v0 =	vimm.f32 $1.000000000e+00;
	v1 =	vimm.s32 $0x0;
	s17 =	sadd.s32 $0x13800, s3;
	s18 =	sadd.s32 $0x15000, s3;
	s19 =	sadd.s32 $0x16800, s3  }
.LBB2_1:
0x11: {  	[tilespmem:s2], [sflag:$0x2] =	stream.linear.gather [hbm4b:s4+s2], $0x300, $0x38;
	[tilespmem:$0xCB00] =	vst v63  }
0x12: {  	_ =	swait.ge [sflag:s23], $0x300  }
0x13: {  	[sflag:s23] =	ssyncset.done $0x0  }
0x14: {  	[sflag:s23] =	ssyncadd.s32 $0xFFFFFD00  }
0x15: {  	s30 =	simm.s32 $0xC00;
	s31 =	simm.s32 $0x0;
	v2 =	vld [tilespmem:$0x0]  }
.LBB2_2:
0x16: {  	p0 =	sne.s32 s30, $0x2F400;
	_ =	sdelay $0x2  }
0x17: {  	s1 =	sshra.s32 s31, $0x2;
	s31 =	smov.u32 s30  }
0x18: {  	[tilespmem:s1+$0x300] =	vst v2  }
0x19: {  	v2 =	vld [tilespmem:$0x10];
	_ =	sdelay $0x4  }
0x1a: {  	[tilespmem:s1+$0x310] =	vst v2  }
0x1b: {  	v2 =	vld [tilespmem:$0x20];
	_ =	sdelay $0x4  }
0x1c: {  	[tilespmem:s1+$0x320] =	vst v2  }
0x1d: {  	v2 =	vld [tilespmem:$0x30];
	_ =	sdelay $0x4  }
0x1e: {  	[tilespmem:s1+$0x330] =	vst v2  }
0x1f: {  	v2 =	vld [tilespmem:$0x40];
	_ =	sdelay $0x4  }
0x20: {  	[tilespmem:s1+$0x340] =	vst v2  }
0x21: {  	v2 =	vld [tilespmem:$0x50];
	_ =	sdelay $0x4  }
0x22: {  	[tilespmem:s1+$0x350] =	vst v2  }
0x23: {  	v2 =	vld [tilespmem:$0x60];
	_ =	sdelay $0x4  }
0x24: {  	[tilespmem:s1+$0x360] =	vst v2  }
0x25: {  	v2 =	vld [tilespmem:$0x70];
	_ =	sdelay $0x4  }
0x26: {  	[tilespmem:s1+$0x370] =	vst v2  }
0x27: {  	v2 =	vld [tilespmem:$0x80];
	_ =	sdelay $0x4  }
0x28: {  	[tilespmem:s1+$0x380] =	vst v2  }
0x29: {  	v2 =	vld [tilespmem:$0x90];
	_ =	sdelay $0x4  }
0x2a: {  	[tilespmem:s1+$0x390] =	vst v2  }
0x2b: {  	v2 =	vld [tilespmem:$0xA0];
	_ =	sdelay $0x4  }
0x2c: {  	[tilespmem:s1+$0x3A0] =	vst v2  }
0x2d: {  	v2 =	vld [tilespmem:$0xB0];
	_ =	sdelay $0x4  }
0x2e: {  	[tilespmem:s1+$0x3B0] =	vst v2  }
0x2f: {  	v2 =	vld [tilespmem:$0xC0];
	_ =	sdelay $0x4  }
0x30: {  	[tilespmem:s1+$0x3C0] =	vst v2  }
0x31: {  	v2 =	vld [tilespmem:$0xD0];
	_ =	sdelay $0x4  }
0x32: {  	[tilespmem:s1+$0x3D0] =	vst v2  }
0x33: {  	v2 =	vld [tilespmem:$0xE0];
	_ =	sdelay $0x4  }
0x34: {  	[tilespmem:s1+$0x3E0] =	vst v2  }
0x35: {  	v2 =	vld [tilespmem:$0xF0];
	_ =	sdelay $0x4  }
0x36: {  	[tilespmem:s1+$0x3F0] =	vst v2  }
0x37: {  	v2 =	vld [tilespmem:$0x100];
	_ =	sdelay $0x4  }
0x38: {  	[tilespmem:s1+$0x400] =	vst v2  }
0x39: {  	v2 =	vld [tilespmem:$0x110];
	_ =	sdelay $0x4  }
0x3a: {  	[tilespmem:s1+$0x410] =	vst v2  }
0x3b: {  	v2 =	vld [tilespmem:$0x120];
	_ =	sdelay $0x4  }
0x3c: {  	[tilespmem:s1+$0x420] =	vst v2  }
0x3d: {  	v2 =	vld [tilespmem:$0x130];
	_ =	sdelay $0x4  }
0x3e: {  	[tilespmem:s1+$0x430] =	vst v2  }
0x3f: {  	v2 =	vld [tilespmem:$0x140];
	_ =	sdelay $0x4  }
0x40: {  	[tilespmem:s1+$0x440] =	vst v2  }
0x41: {  	v2 =	vld [tilespmem:$0x150];
	_ =	sdelay $0x4  }
0x42: {  	[tilespmem:s1+$0x450] =	vst v2  }
0x43: {  	v2 =	vld [tilespmem:$0x160];
	_ =	sdelay $0x4  }
0x44: {  	[tilespmem:s1+$0x460] =	vst v2  }
0x45: {  	v2 =	vld [tilespmem:$0x170];
	_ =	sdelay $0x4  }
0x46: {  	[tilespmem:s1+$0x470] =	vst v2  }
0x47: {  	v2 =	vld [tilespmem:$0x180];
	_ =	sdelay $0x4  }
0x48: {  	[tilespmem:s1+$0x480] =	vst v2  }
0x49: {  	v2 =	vld [tilespmem:$0x190];
	_ =	sdelay $0x4  }
0x4a: {  	[tilespmem:s1+$0x490] =	vst v2  }
0x4b: {  	v2 =	vld [tilespmem:$0x1A0];
	_ =	sdelay $0x4  }
0x4c: {  	[tilespmem:s1+$0x4A0] =	vst v2  }
0x4d: {  	v2 =	vld [tilespmem:$0x1B0];
	_ =	sdelay $0x4  }
0x4e: {  	[tilespmem:s1+$0x4B0] =	vst v2  }
0x4f: {  	v2 =	vld [tilespmem:$0x1C0];
	_ =	sdelay $0x4  }
0x50: {  	[tilespmem:s1+$0x4C0] =	vst v2  }
0x51: {  	v2 =	vld [tilespmem:$0x1D0];
	_ =	sdelay $0x4  }
0x52: {  	[tilespmem:s1+$0x4D0] =	vst v2  }
0x53: {  	v2 =	vld [tilespmem:$0x1E0];
	_ =	sdelay $0x4  }
0x54: {  	[tilespmem:s1+$0x4E0] =	vst v2  }
0x55: {  	v2 =	vld [tilespmem:$0x1F0];
	_ =	sdelay $0x4  }
0x56: {  	[tilespmem:s1+$0x4F0] =	vst v2  }
0x57: {  	v2 =	vld [tilespmem:$0x200];
	_ =	sdelay $0x4  }
0x58: {  	[tilespmem:s1+$0x500] =	vst v2  }
0x59: {  	v2 =	vld [tilespmem:$0x210];
	_ =	sdelay $0x4  }
0x5a: {  	[tilespmem:s1+$0x510] =	vst v2  }
0x5b: {  	v2 =	vld [tilespmem:$0x220];
	_ =	sdelay $0x4  }
0x5c: {  	[tilespmem:s1+$0x520] =	vst v2  }
0x5d: {  	v2 =	vld [tilespmem:$0x230];
	_ =	sdelay $0x4  }
0x5e: {  	[tilespmem:s1+$0x530] =	vst v2  }
0x5f: {  	v2 =	vld [tilespmem:$0x240];
	_ =	sdelay $0x4  }
0x60: {  	[tilespmem:s1+$0x540] =	vst v2  }
0x61: {  	v2 =	vld [tilespmem:$0x250];
	_ =	sdelay $0x4  }
0x62: {  	[tilespmem:s1+$0x550] =	vst v2  }
0x63: {  	v2 =	vld [tilespmem:$0x260];
	_ =	sdelay $0x4  }
0x64: {  	[tilespmem:s1+$0x560] =	vst v2  }
0x65: {  	v2 =	vld [tilespmem:$0x270];
	_ =	sdelay $0x4  }
0x66: {  	[tilespmem:s1+$0x570] =	vst v2  }
0x67: {  	v2 =	vld [tilespmem:$0x280];
	_ =	sdelay $0x4  }
0x68: {  	[tilespmem:s1+$0x580] =	vst v2  }
0x69: {  	v2 =	vld [tilespmem:$0x290];
	_ =	sdelay $0x4  }
0x6a: {  	[tilespmem:s1+$0x590] =	vst v2  }
0x6b: {  	v2 =	vld [tilespmem:$0x2A0];
	_ =	sdelay $0x4  }
0x6c: {  	[tilespmem:s1+$0x5A0] =	vst v2  }
0x6d: {  	v2 =	vld [tilespmem:$0x2B0];
	_ =	sdelay $0x4  }
0x6e: {  	[tilespmem:s1+$0x5B0] =	vst v2  }
0x6f: {  	v2 =	vld [tilespmem:$0x2C0];
	_ =	sdelay $0x4  }
0x70: {  	[tilespmem:s1+$0x5C0] =	vst v2  }
0x71: {  	v2 =	vld [tilespmem:$0x2D0];
	_ =	sdelay $0x4  }
0x72: {  	[tilespmem:s1+$0x5D0] =	vst v2  }
0x73: {  	v2 =	vld [tilespmem:$0x2E0];
	_ =	sdelay $0x4  }
0x74: {  	[tilespmem:s1+$0x5E0] =	vst v2  }
0x75: {  	v2 =	vld [tilespmem:$0x2F0];
	_ =	sdelay $0x1  }
.Ltmp0:
0x76: {  	(pc) =	sbr.rel @p0 .LBB2_2-.Ltmp0, $3  }
0x77: {  	_ =	sdelay $0x1  }
0x78: {  	[tilespmem:s1+$0x5F0] =	vst v2  }
0x79: {  	s30 =	sadd.s32 $0xC00, s30;
	v2 =	vld [tilespmem:$0x0]  }
0x7a: {  	_ =	sdelay $0x2  }
0x7b: {  	s1 =	sshra.s32 s31, $0x2  }
0x7c: {  	[tilespmem:s1+$0x300] =	vst v2  }
0x7d: {  	v2 =	vld [tilespmem:$0x10];
	_ =	sdelay $0x4  }
0x7e: {  	[tilespmem:s1+$0x310] =	vst v2  }
0x7f: {  	v2 =	vld [tilespmem:$0x20];
	_ =	sdelay $0x4  }
0x80: {  	[tilespmem:s1+$0x320] =	vst v2  }
0x81: {  	v2 =	vld [tilespmem:$0x30];
	_ =	sdelay $0x4  }
0x82: {  	[tilespmem:s1+$0x330] =	vst v2  }
0x83: {  	v2 =	vld [tilespmem:$0x40];
	_ =	sdelay $0x4  }
0x84: {  	[tilespmem:s1+$0x340] =	vst v2  }
0x85: {  	v2 =	vld [tilespmem:$0x50];
	_ =	sdelay $0x4  }
0x86: {  	[tilespmem:s1+$0x350] =	vst v2  }
0x87: {  	v2 =	vld [tilespmem:$0x60];
	_ =	sdelay $0x4  }
0x88: {  	[tilespmem:s1+$0x360] =	vst v2  }
0x89: {  	v2 =	vld [tilespmem:$0x70];
	_ =	sdelay $0x4  }
0x8a: {  	[tilespmem:s1+$0x370] =	vst v2  }
0x8b: {  	v2 =	vld [tilespmem:$0x80];
	_ =	sdelay $0x4  }
0x8c: {  	[tilespmem:s1+$0x380] =	vst v2  }
0x8d: {  	v2 =	vld [tilespmem:$0x90];
	_ =	sdelay $0x4  }
0x8e: {  	[tilespmem:s1+$0x390] =	vst v2  }
0x8f: {  	v2 =	vld [tilespmem:$0xA0];
	_ =	sdelay $0x4  }
0x90: {  	[tilespmem:s1+$0x3A0] =	vst v2  }
0x91: {  	v2 =	vld [tilespmem:$0xB0];
	_ =	sdelay $0x4  }
0x92: {  	[tilespmem:s1+$0x3B0] =	vst v2  }
0x93: {  	v2 =	vld [tilespmem:$0xC0];
	_ =	sdelay $0x4  }
0x94: {  	[tilespmem:s1+$0x3C0] =	vst v2  }
0x95: {  	v2 =	vld [tilespmem:$0xD0];
	_ =	sdelay $0x4  }
0x96: {  	[tilespmem:s1+$0x3D0] =	vst v2  }
0x97: {  	v2 =	vld [tilespmem:$0xE0];
	_ =	sdelay $0x4  }
0x98: {  	[tilespmem:s1+$0x3E0] =	vst v2  }
0x99: {  	v2 =	vld [tilespmem:$0xF0];
	_ =	sdelay $0x4  }
0x9a: {  	[tilespmem:s1+$0x3F0] =	vst v2  }
0x9b: {  	v2 =	vld [tilespmem:$0x100];
	_ =	sdelay $0x4  }
0x9c: {  	[tilespmem:s1+$0x400] =	vst v2  }
0x9d: {  	v2 =	vld [tilespmem:$0x110];
	_ =	sdelay $0x4  }
0x9e: {  	[tilespmem:s1+$0x410] =	vst v2  }
0x9f: {  	v2 =	vld [tilespmem:$0x120];
	_ =	sdelay $0x4  }
0xa0: {  	[tilespmem:s1+$0x420] =	vst v2  }
0xa1: {  	v2 =	vld [tilespmem:$0x130];
	_ =	sdelay $0x4  }
0xa2: {  	[tilespmem:s1+$0x430] =	vst v2  }
0xa3: {  	v2 =	vld [tilespmem:$0x140];
	_ =	sdelay $0x4  }
0xa4: {  	[tilespmem:s1+$0x440] =	vst v2  }
0xa5: {  	v2 =	vld [tilespmem:$0x150];
	_ =	sdelay $0x4  }
0xa6: {  	[tilespmem:s1+$0x450] =	vst v2  }
0xa7: {  	v2 =	vld [tilespmem:$0x160];
	_ =	sdelay $0x4  }
0xa8: {  	[tilespmem:s1+$0x460] =	vst v2  }
0xa9: {  	v2 =	vld [tilespmem:$0x170];
	_ =	sdelay $0x4  }
0xaa: {  	[tilespmem:s1+$0x470] =	vst v2  }
0xab: {  	v2 =	vld [tilespmem:$0x180];
	_ =	sdelay $0x4  }
0xac: {  	[tilespmem:s1+$0x480] =	vst v2  }
0xad: {  	v2 =	vld [tilespmem:$0x190];
	_ =	sdelay $0x4  }
0xae: {  	[tilespmem:s1+$0x490] =	vst v2  }
0xaf: {  	v2 =	vld [tilespmem:$0x1A0];
	_ =	sdelay $0x4  }
0xb0: {  	[tilespmem:s1+$0x4A0] =	vst v2  }
0xb1: {  	v2 =	vld [tilespmem:$0x1B0];
	_ =	sdelay $0x4  }
0xb2: {  	[tilespmem:s1+$0x4B0] =	vst v2  }
0xb3: {  	v2 =	vld [tilespmem:$0x1C0];
	_ =	sdelay $0x4  }
0xb4: {  	[tilespmem:s1+$0x4C0] =	vst v2  }
0xb5: {  	v2 =	vld [tilespmem:$0x1D0];
	_ =	sdelay $0x4  }
0xb6: {  	[tilespmem:s1+$0x4D0] =	vst v2  }
0xb7: {  	v2 =	vld [tilespmem:$0x1E0];
	_ =	sdelay $0x4  }
0xb8: {  	[tilespmem:s1+$0x4E0] =	vst v2  }
0xb9: {  	v2 =	vld [tilespmem:$0x1F0];
	_ =	sdelay $0x4  }
0xba: {  	[tilespmem:s1+$0x4F0] =	vst v2  }
0xbb: {  	v2 =	vld [tilespmem:$0x200];
	_ =	sdelay $0x4  }
0xbc: {  	[tilespmem:s1+$0x500] =	vst v2  }
0xbd: {  	v2 =	vld [tilespmem:$0x210];
	_ =	sdelay $0x4  }
0xbe: {  	[tilespmem:s1+$0x510] =	vst v2  }
0xbf: {  	v2 =	vld [tilespmem:$0x220];
	_ =	sdelay $0x4  }
0xc0: {  	[tilespmem:s1+$0x520] =	vst v2  }
0xc1: {  	v2 =	vld [tilespmem:$0x230];
	_ =	sdelay $0x4  }
0xc2: {  	[tilespmem:s1+$0x530] =	vst v2  }
0xc3: {  	v2 =	vld [tilespmem:$0x240];
	_ =	sdelay $0x4  }
0xc4: {  	[tilespmem:s1+$0x540] =	vst v2  }
0xc5: {  	v2 =	vld [tilespmem:$0x250];
	_ =	sdelay $0x4  }
0xc6: {  	[tilespmem:s1+$0x550] =	vst v2  }
0xc7: {  	v2 =	vld [tilespmem:$0x260];
	_ =	sdelay $0x4  }
0xc8: {  	[tilespmem:s1+$0x560] =	vst v2  }
0xc9: {  	v2 =	vld [tilespmem:$0x270];
	_ =	sdelay $0x4  }
0xca: {  	[tilespmem:s1+$0x570] =	vst v2  }
0xcb: {  	v2 =	vld [tilespmem:$0x280];
	_ =	sdelay $0x4  }
0xcc: {  	[tilespmem:s1+$0x580] =	vst v2  }
0xcd: {  	v2 =	vld [tilespmem:$0x290];
	_ =	sdelay $0x4  }
0xce: {  	[tilespmem:s1+$0x590] =	vst v2  }
0xcf: {  	v2 =	vld [tilespmem:$0x2A0];
	_ =	sdelay $0x4  }
0xd0: {  	[tilespmem:s1+$0x5A0] =	vst v2  }
0xd1: {  	v2 =	vld [tilespmem:$0x2B0];
	_ =	sdelay $0x4  }
0xd2: {  	[tilespmem:s1+$0x5B0] =	vst v2  }
0xd3: {  	v2 =	vld [tilespmem:$0x2C0];
	_ =	sdelay $0x4  }
0xd4: {  	[tilespmem:s1+$0x5C0] =	vst v2  }
0xd5: {  	v2 =	vld [tilespmem:$0x2D0];
	_ =	sdelay $0x4  }
0xd6: {  	[tilespmem:s1+$0x5D0] =	vst v2  }
0xd7: {  	v2 =	vld [tilespmem:$0x2E0];
	_ =	sdelay $0x4  }
0xd8: {  	[tilespmem:s1+$0x5E0] =	vst v2  }
0xd9: {  	v2 =	vld [tilespmem:$0x2F0];
	_ =	sdelay $0x4  }
0xda: {  	s30 =	simm.s32 $0x0;
	[tilespmem:s1+$0x5F0] =	vst v2;
	s1 =	simm.s32 $0x40  }
.LBB2_4:
0xdb: {  	p0 =	sne.s32 s1, $0xFC0;
	[tilespmem:s30+$0xC300] =	vst v0;
	s31 =	smov.u32 s1;
	s1 =	sadd.s32 $0x40, s1  }
.Ltmp1:
0xdc: {  	[tilespmem:s30+$0xC700] =	vst v1;
	(pc) =	sbr.rel @p0 .LBB2_4-.Ltmp1, $2  }
0xdd: {  	_ =	sdelay $0x2  }
0xde: {  	s30 =	sshra.s32 s31, $0x2  }
0xdf: {  	[tilespmem:s30+$0xC300] =	vst v0  }
0xe0: {  	[tilespmem:s30+$0xC700] =	vst v1  }
0xe1: {  	[hbm4b:s3+s2] =	stream.linear.scatter [tilespmem:s24], [sflag:$0x1], $0xC000, $0x38;
	[tilespmem:$0xCB00] =	vst v63  }
0xe2: {  	_ = 	snop  }
0xe3: {  	[hbm4b:s5+s2] =	stream.linear.scatter [tilespmem:s24], [sflag:$0x1], $0xC000, $0x38;
	[tilespmem:$0xCB00] =	vst v63  }
0xe4: {  	_ = 	snop  }
0xe5: {  	[hbm4b:s6+s2] =	stream.linear.scatter [tilespmem:s24], [sflag:$0x1], $0xC000, $0x38;
	[tilespmem:$0xCB00] =	vst v63  }
0xe6: {  	_ = 	snop  }
0xe7: {  	[hbm4b:s7+s2] =	stream.linear.scatter [tilespmem:s24], [sflag:$0x1], $0xC000, $0x38;
	[tilespmem:$0xCB00] =	vst v63  }
0xe8: {  	_ = 	snop  }
0xe9: {  	[hbm4b:s8+s2] =	stream.linear.scatter [tilespmem:s24], [sflag:$0x1], $0xC000, $0x38;
	[tilespmem:$0xCB00] =	vst v63  }
0xea: {  	_ = 	snop  }
0xeb: {  	[hbm4b:s9+s2] =	stream.linear.scatter [tilespmem:s24], [sflag:$0x1], $0xC000, $0x38;
	[tilespmem:$0xCB00] =	vst v63  }
0xec: {  	_ = 	snop  }
0xed: {  	[hbm4b:s10+s2] =	stream.linear.scatter [tilespmem:s24], [sflag:$0x1], $0xC000, $0x38;
	[tilespmem:$0xCB00] =	vst v63  }
0xee: {  	_ = 	snop  }
0xef: {  	[hbm4b:s11+s2] =	stream.linear.scatter [tilespmem:s24], [sflag:$0x1], $0xC000, $0x38;
	[tilespmem:$0xCB00] =	vst v63  }
0xf0: {  	_ = 	snop  }
0xf1: {  	[hbm4b:s12+s2] =	stream.linear.scatter [tilespmem:s24], [sflag:$0x1], $0xC000, $0x38;
	[tilespmem:$0xCB00] =	vst v63  }
0xf2: {  	_ = 	snop  }
0xf3: {  	[hbm4b:s13+s2] =	stream.linear.scatter [tilespmem:s24], [sflag:$0x1], $0xC000, $0x38;
	[tilespmem:$0xCB00] =	vst v63  }
0xf4: {  	_ = 	snop  }
0xf5: {  	[hbm4b:s14+s2] =	stream.linear.scatter [tilespmem:s24], [sflag:$0x1], $0xC000, $0x38;
	[tilespmem:$0xCB00] =	vst v63  }
0xf6: {  	_ = 	snop  }
0xf7: {  	[hbm4b:s15+s2] =	stream.linear.scatter [tilespmem:s24], [sflag:$0x1], $0xC000, $0x38;
	[tilespmem:$0xCB00] =	vst v63  }
0xf8: {  	_ = 	snop  }
0xf9: {  	[hbm4b:s16+s2] =	stream.linear.scatter [tilespmem:s24], [sflag:$0x1], $0xC000, $0x38;
	[tilespmem:$0xCB00] =	vst v63  }
0xfa: {  	_ = 	snop  }
0xfb: {  	[hbm4b:s17+s2] =	stream.linear.scatter [tilespmem:s24], [sflag:$0x1], $0xC000, $0x38;
	[tilespmem:$0xCB00] =	vst v63  }
0xfc: {  	_ = 	snop  }
0xfd: {  	[hbm4b:s18+s2] =	stream.linear.scatter [tilespmem:s24], [sflag:$0x1], $0xC000, $0x38;
	[tilespmem:$0xCB00] =	vst v63  }
0xfe: {  	_ = 	snop  }
0xff: {  	[hbm4b:s19+s2] =	stream.linear.scatter [tilespmem:s24], [sflag:$0x1], $0xC000, $0x38;
	[tilespmem:$0xCB00] =	vst v63  }
0x100: {  	_ = 	snop  }
0x101: {  	[hbm4b:s20+s2] =	stream.linear.scatter [tilespmem:s25], [sflag:$0x2], $0x400, $0x38;
	[tilespmem:$0xCB00] =	vst v63  }
0x102: {  	_ =	swait.ge [sflag:s23], $0x400  }
0x103: {  	[sflag:s23] =	ssyncset.done $0x0  }
0x104: {  	[sflag:s23] =	ssyncadd.s32 $0xFFFFFC00  }
0x105: {  	[hbm4b:s21+s2] =	stream.linear.scatter [tilespmem:s26], [sflag:$0x2], $0x400, $0x38;
	[tilespmem:$0xCB00] =	vst v63  }
0x106: {  	_ =	swait.ge [sflag:s23], $0x400  }
0x107: {  	[sflag:s23] =	ssyncset.done $0x0  }
0x108: {  	[sflag:s23] =	ssyncadd.s32 $0xFFFFFC00  }
0x109: {  	_ =	swait.ge [sflag:s28], $0xC000  }
0x10a: {  	[sflag:s28] =	ssyncset.done $0x0  }
0x10b: {  	[sflag:s28] =	ssyncadd.s32 $0xFFFF4000  }
0x10c: {  	_ =	swait.ge [sflag:s28], $0xC000  }
0x10d: {  	[sflag:s28] =	ssyncset.done $0x0  }
0x10e: {  	[sflag:s28] =	ssyncadd.s32 $0xFFFF4000  }
0x10f: {  	_ =	swait.ge [sflag:s28], $0xC000  }
0x110: {  	[sflag:s28] =	ssyncset.done $0x0  }
0x111: {  	[sflag:s28] =	ssyncadd.s32 $0xFFFF4000  }
0x112: {  	_ =	swait.ge [sflag:s28], $0xC000  }
0x113: {  	[sflag:s28] =	ssyncset.done $0x0  }
0x114: {  	[sflag:s28] =	ssyncadd.s32 $0xFFFF4000  }
0x115: {  	_ =	swait.ge [sflag:s28], $0xC000  }
0x116: {  	[sflag:s28] =	ssyncset.done $0x0  }
0x117: {  	[sflag:s28] =	ssyncadd.s32 $0xFFFF4000  }
0x118: {  	_ =	swait.ge [sflag:s28], $0xC000  }
0x119: {  	[sflag:s28] =	ssyncset.done $0x0  }
0x11a: {  	[sflag:s28] =	ssyncadd.s32 $0xFFFF4000  }
0x11b: {  	_ =	swait.ge [sflag:s28], $0xC000  }
0x11c: {  	[sflag:s28] =	ssyncset.done $0x0  }
0x11d: {  	[sflag:s28] =	ssyncadd.s32 $0xFFFF4000  }
0x11e: {  	_ =	swait.ge [sflag:s28], $0xC000  }
0x11f: {  	[sflag:s28] =	ssyncset.done $0x0  }
0x120: {  	[sflag:s28] =	ssyncadd.s32 $0xFFFF4000  }
0x121: {  	_ =	swait.ge [sflag:s28], $0xC000  }
0x122: {  	[sflag:s28] =	ssyncset.done $0x0  }
0x123: {  	[sflag:s28] =	ssyncadd.s32 $0xFFFF4000  }
0x124: {  	_ =	swait.ge [sflag:s28], $0xC000  }
0x125: {  	[sflag:s28] =	ssyncset.done $0x0  }
0x126: {  	[sflag:s28] =	ssyncadd.s32 $0xFFFF4000  }
0x127: {  	_ =	swait.ge [sflag:s28], $0xC000  }
0x128: {  	[sflag:s28] =	ssyncset.done $0x0  }
0x129: {  	[sflag:s28] =	ssyncadd.s32 $0xFFFF4000  }
0x12a: {  	_ =	swait.ge [sflag:s28], $0xC000  }
0x12b: {  	[sflag:s28] =	ssyncset.done $0x0  }
0x12c: {  	[sflag:s28] =	ssyncadd.s32 $0xFFFF4000  }
0x12d: {  	_ =	swait.ge [sflag:s28], $0xC000  }
0x12e: {  	[sflag:s28] =	ssyncset.done $0x0  }
0x12f: {  	[sflag:s28] =	ssyncadd.s32 $0xFFFF4000  }
0x130: {  	_ =	swait.ge [sflag:s28], $0xC000  }
0x131: {  	[sflag:s28] =	ssyncset.done $0x0  }
0x132: {  	s29 =	sadd.s32 $0x1, s29;
	[sflag:s28] =	ssyncadd.s32 $0xFFFF4000  }
0x133: {  	p0 =	sne.s32 s29, s22;
	_ =	swait.ge [sflag:s28], $0xC000  }
.Ltmp2:
0x134: {  	[sflag:s28] =	ssyncset.done $0x0;
	(pc) =	sbr.rel @p0 .LBB2_1-.Ltmp2, $4  }
0x135: {  	[sflag:s28] =	ssyncadd.s32 $0xFFFF4000  }
0x136: {  	_ =	swait.ge [sflag:s28], $0xC000  }
0x137: {  	[sflag:s28] =	ssyncset.done $0x0  }
0x138: {  	[sflag:s28] =	ssyncadd.s32 $0xFFFF4000  }
0x139: {  	_ =	sfence.sel $0x180000  }
0x13a: {  	[bflag:$0x0] =	sbarrier.arrive $0xFFFF  }
0x13b: {  	_ =	strace $0x90000047  }
0x13c: {  	[bflag:$0x2] =	sbarrier.arrive $0xFFFF  }
0x13d: {  	p0 =	sne.s32 s0, $0x0;
	s0 =	rddreg [dreg:$0x4]  }
0x13e: {  	s0 =	sadd.s32 @!p0 $0x100000, s0  }
0x13f: {  	[sflag:s0] =	ssyncadd.tile.s32 @!p0 $0x1;
	_ =	shalt  }
.Lfunc_end2:
_tile_overlayer_lowered:
.L_overlay_start_2:
0x140: {  	(tag) =	ssettag $0x2  }
0x141: {  	s0 =	rddreg [dreg:$0x0];
	s2 =	stileid.u32  }
0x142: {  	s1 =	rddreg [dreg:$0x1];
	p0 =	sne.s32 s2, $0x0  }
0x143: {  	s3 =	rddreg [dreg:$0x2];
	[bflag:$0x3] =	sbarrier.arrive $0xFFFF;
	s2 =	simm.s32 @!p0 $0x1C02  }
0x144: {  	[timem:s3], [sflag:s2] =	dma.local @!p0 [hbm:s0], s1  }
0x145: {  	s0 =	simm.s32 @!p0 $0x2  }
0x146: {  	_ =	swait.ge @!p0 [sflag:s0], s1  }
0x147: {  	s1 =	ssub.s32 @!p0 $0x0, s1;
	[sflag:s0] =	ssyncset.done @!p0 $0x0  }
0x148: {  	[sflag:s0] =	ssyncadd.s32 @!p0 s1  }
0x149: {  	[bflag:$0x3] =	sbarrier.arrive $0xFFFF  }
0x14a: {  	_ =	shalt  }

</sc_bundles>
